<compile_context>
chip_gen: v7x
topology: tpu7x:2x2x1
jax: 0.10.2.dev20260603
libtpu: 0.0.44.dev20260713+nightly
codegen_flags: <defaults>
</compile_context>

<pallas_src>
import functools

import jax
import jax.numpy as jnp
from jax import lax
from jax.experimental import pallas as pl
from jax.experimental.pallas import tpu as pltpu
from jax.experimental.pallas import tpu_sc as plsc

NUM_CITY = 1000
NUM_ZIP = 100000
EMB = 128
BATCH = 16384

NC = 2
NS = 16
NW = NC * NS
B_PER_W = BATCH // NW
CHUNK = 64
NCHUNK = B_PER_W // CHUNK
NBUF = 6

_mesh = plsc.VectorSubcoreMesh(core_axis_name="c", subcore_axis_name="s")


@functools.partial(
    pl.kernel,
    mesh=_mesh,
    out_type=jax.ShapeDtypeStruct((BATCH, 2 * EMB), jnp.float32),
    scratch_types=[
        pltpu.VMEM((B_PER_W,), jnp.int32),
        pltpu.VMEM((B_PER_W,), jnp.int32),
        pltpu.VMEM((NBUF, CHUNK, EMB), jnp.float32),
        pltpu.VMEM((NBUF, CHUNK, EMB), jnp.float32),
    ]
    + [pltpu.SemaphoreType.DMA] * (2 * NBUF),
)
def _emb_concat(city_idx_hbm, area_idx_hbm, city_tab_hbm, area_tab_hbm,
                out_hbm, cidx_v, aidx_v, crows_v, arows_v, *sems):
    gsems = sems[:NBUF]
    wsems = sems[NBUF:]
    wid = lax.axis_index("c") * NS + lax.axis_index("s")
    base = wid * B_PER_W

    iload = [pltpu.async_copy(city_idx_hbm.at[pl.ds(base, B_PER_W)], cidx_v, gsems[0]),
             pltpu.async_copy(area_idx_hbm.at[pl.ds(base, B_PER_W)], aidx_v, gsems[1])]
    for d in iload:
        d.wait()

    def gather(c):
        b = c % NBUF
        sl = pl.ds(c * CHUNK, CHUNK)
        return [
            pltpu.async_copy(city_tab_hbm.at[cidx_v.at[sl]], crows_v.at[b], gsems[b]),
            pltpu.async_copy(area_tab_hbm.at[aidx_v.at[sl]], arows_v.at[b], gsems[b]),
        ]

    def write(c):
        b = c % NBUF
        off = base + c * CHUNK
        return [
            pltpu.async_copy(crows_v.at[b],
                             out_hbm.at[pl.ds(off, CHUNK), pl.ds(0, EMB)], wsems[b]),
            pltpu.async_copy(arows_v.at[b],
                             out_hbm.at[pl.ds(off, CHUNK), pl.ds(EMB, EMB)], wsems[b]),
        ]

    gd = {c: gather(c) for c in range(min(NBUF, NCHUNK))}
    wd = {}
    for c in range(NCHUNK):
        for d in gd.pop(c):
            d.wait()
        wd[c] = write(c)
        nxt = c + NBUF
        if nxt < NCHUNK:
            for d in wd.pop(nxt - NBUF):
                d.wait()
            gd[nxt] = gather(nxt)
    for c in sorted(wd):
        for d in wd[c]:
            d.wait()


def kernel(city_idx, area_idx, city_table, area_table):
    return _emb_concat(city_idx.astype(jnp.int32), area_idx.astype(jnp.int32),
                       city_table, area_table)

# --- scband reference (transcript-rebuilt; emitter-appended) ---
"""Pipeline reference for scband-user-146028888572 (READ-ONLY COPY).

The authoritative reference and input builder live on the scoring server;
editing this copy changes nothing except your own understanding.
"""

import jax, jax.numpy as jnp
import numpy as np

NUM_CITY = 1000
NUM_ZIP = 100000
EMB = 128
BATCH = 16384

def setup_inputs(seed: int = 0) -> dict:
    key = jax.random.key(seed)
    k1, k2, k3, k4 = jax.random.split(key, 4)
    city_idx = jax.random.randint(k1, (BATCH,), 0, NUM_CITY, dtype=jnp.int64 if jax.config.jax_enable_x64 else jnp.int32)
    area_idx = jax.random.randint(k2, (BATCH,), 0, NUM_ZIP, dtype=jnp.int64 if jax.config.jax_enable_x64 else jnp.int32)
    city_table = jax.random.normal(k3, (NUM_CITY, EMB), dtype=jnp.float32)
    area_table = jax.random.normal(k4, (NUM_ZIP, EMB), dtype=jnp.float32)
    return {"city_idx": city_idx, "area_idx": area_idx, "city_table": city_table, "area_table": area_table}

def reference(city_idx, area_idx, city_table, area_table):
    city_emb = jnp.take(city_table, city_idx, axis=0)
    area_emb = jnp.take(area_table, area_idx, axis=0)
    return jnp.concatenate((city_emb, area_emb), axis=1)

if __name__ == "__main__":
    import jax
    _d = setup_inputs()
    print(jax.jit(kernel)(*tuple(_d.values())))

</pallas_src>

<mosaic_0001>
#map = affine_map<(d0, d1) -> (0)>
#map1 = affine_map<(d0, d1) -> (0, 0)>
module attributes {stable_mosaic.version = 14 : i64} {
  func.func @_emb_concat(%arg0: i32, %arg1: i32, %arg2: memref<16384xi32, #tpu.memory_space<hbm>>, %arg3: memref<16384xi32, #tpu.memory_space<hbm>>, %arg4: memref<1000x128xf32, #tpu.memory_space<hbm>>, %arg5: memref<100000x128xf32, #tpu.memory_space<hbm>>, %arg6: memref<16384x256xf32, #tpu.memory_space<hbm>>, %arg7: memref<512xi32, #tpu.memory_space<vmem>>, %arg8: memref<512xi32, #tpu.memory_space<vmem>>, %arg9: memref<6x64x128xf32, #tpu.memory_space<vmem>>, %arg10: memref<6x64x128xf32, #tpu.memory_space<vmem>>, %arg11: memref<!tpu.dma_semaphore, #tpu.memory_space<semaphore_mem>>, %arg12: memref<!tpu.dma_semaphore, #tpu.memory_space<semaphore_mem>>, %arg13: memref<!tpu.dma_semaphore, #tpu.memory_space<semaphore_mem>>, %arg14: memref<!tpu.dma_semaphore, #tpu.memory_space<semaphore_mem>>, %arg15: memref<!tpu.dma_semaphore, #tpu.memory_space<semaphore_mem>>, %arg16: memref<!tpu.dma_semaphore, #tpu.memory_space<semaphore_mem>>, %arg17: memref<!tpu.dma_semaphore, #tpu.memory_space<semaphore_mem>>, %arg18: memref<!tpu.dma_semaphore, #tpu.memory_space<semaphore_mem>>, %arg19: memref<!tpu.dma_semaphore, #tpu.memory_space<semaphore_mem>>, %arg20: memref<!tpu.dma_semaphore, #tpu.memory_space<semaphore_mem>>, %arg21: memref<!tpu.dma_semaphore, #tpu.memory_space<semaphore_mem>>, %arg22: memref<!tpu.dma_semaphore, #tpu.memory_space<semaphore_mem>>) attributes {dimension_semantics = [#tpu.dimension_semantics<core_parallel>, #tpu.dimension_semantics<subcore_parallel>], iteration_bounds = array<i64: 2, 16>, scalar_prefetch = 0 : i64, scratch_operands = 16 : i64, tpu.core_type = #tpu.core_type<sc_vector_subcore>, window_params = [{transform_indices = #map}, {transform_indices = #map}, {transform_indices = #map1}, {transform_indices = #map1}, {transform_indices = #map1}]} {
    %mul3A = arith.constant 16 : i32
    %mul3A_0 = arith.muli %arg0, %mul3A : i32
    %add3A = arith.addi %mul3A_0, %arg1 : i32
    %mul3A_1 = arith.constant 512 : i32
    %mul3A_2 = arith.muli %add3A, %mul3A_1 : i32
    %dma_start3A = tpu.memref_slice %arg2[%mul3A_2] : memref<16384xi32, #tpu.memory_space<hbm>> -> memref<512xi32, #tpu.memory_space<hbm>>
    %dma_start3A_3 = tpu.memref_slice %arg2[%mul3A_2] : memref<16384xi32, #tpu.memory_space<hbm>> -> memref<512xi32, #tpu.memory_space<hbm>>
    tpu.enqueue_dma source(%dma_start3A_3 : memref<512xi32, #tpu.memory_space<hbm>>) target(%arg7 : memref<512xi32, #tpu.memory_space<vmem>>) target_semaphore(%arg11 : memref<!tpu.dma_semaphore, #tpu.memory_space<semaphore_mem>>)
    %dma_start3A_4 = tpu.memref_slice %arg3[%mul3A_2] : memref<16384xi32, #tpu.memory_space<hbm>> -> memref<512xi32, #tpu.memory_space<hbm>>
    %dma_start3A_5 = tpu.memref_slice %arg3[%mul3A_2] : memref<16384xi32, #tpu.memory_space<hbm>> -> memref<512xi32, #tpu.memory_space<hbm>>
    tpu.enqueue_dma source(%dma_start3A_5 : memref<512xi32, #tpu.memory_space<hbm>>) target(%arg8 : memref<512xi32, #tpu.memory_space<vmem>>) target_semaphore(%arg12 : memref<!tpu.dma_semaphore, #tpu.memory_space<semaphore_mem>>)
    %dma_wait3A = tpu.memref_slice %arg2[%mul3A_2] : memref<16384xi32, #tpu.memory_space<hbm>> -> memref<512xi32, #tpu.memory_space<hbm>>
    %dma_wait3A_6 = tpu.memref_slice %arg2[%mul3A_2] : memref<16384xi32, #tpu.memory_space<hbm>> -> memref<512xi32, #tpu.memory_space<hbm>>
    tpu.wait_dma2 semaphore(%arg11 : memref<!tpu.dma_semaphore, #tpu.memory_space<semaphore_mem>>) src(%dma_wait3A_6 : memref<512xi32, #tpu.memory_space<hbm>>) dst(%arg7 : memref<512xi32, #tpu.memory_space<vmem>>)
    %dma_wait3A_7 = tpu.memref_slice %arg3[%mul3A_2] : memref<16384xi32, #tpu.memory_space<hbm>> -> memref<512xi32, #tpu.memory_space<hbm>>
    %dma_wait3A_8 = tpu.memref_slice %arg3[%mul3A_2] : memref<16384xi32, #tpu.memory_space<hbm>> -> memref<512xi32, #tpu.memory_space<hbm>>
    tpu.wait_dma2 semaphore(%arg12 : memref<!tpu.dma_semaphore, #tpu.memory_space<semaphore_mem>>) src(%dma_wait3A_8 : memref<512xi32, #tpu.memory_space<hbm>>) dst(%arg8 : memref<512xi32, #tpu.memory_space<vmem>>)
    %dma_start3A_9 = arith.constant 0 : i32
    %dma_start3A_10 = arith.constant 0 : i32
    %dma_start3A_11 = arith.constant 0 : i32
    %dma_start3A_12 = tpu.memref_slice %arg9[%dma_start3A_9, %dma_start3A_10, %dma_start3A_11] : memref<6x64x128xf32, #tpu.memory_space<vmem>> -> memref<1x64x128xf32, #tpu.memory_space<vmem>>
    %dma_start3A_13 = tpu.memref_squeeze %dma_start3A_12 : memref<1x64x128xf32, #tpu.memory_space<vmem>> -> memref<64x128xf32, #tpu.memory_space<vmem>>
    %dma_start3A_14 = arith.constant 0 : i32
    %dma_start3A_15 = tpu.memref_slice %arg7[%dma_start3A_14] : memref<512xi32, #tpu.memory_space<vmem>> -> memref<64xi32, #tpu.memory_space<vmem>>
    %dma_start3A_16 = arith.constant 0 : i32
    %dma_start3A_17 = arith.constant 0 : i32
    %dma_start3A_18 = tpu.memref_slice %arg4[%dma_start3A_16, %dma_start3A_17] : memref<1000x128xf32, #tpu.memory_space<hbm>> -> memref<1000x128xf32, #tpu.memory_space<hbm>>
    tpu.enqueue_indirect_dma source(%dma_start3A_18 : memref<1000x128xf32, #tpu.memory_space<hbm>>) target(%dma_start3A_13 : memref<64x128xf32, #tpu.memory_space<vmem>>) offsets(%dma_start3A_15 : memref<64xi32, #tpu.memory_space<vmem>>) semaphore(%arg11 : memref<!tpu.dma_semaphore, #tpu.memory_space<semaphore_mem>>)
    %dma_start3A_19 = arith.constant 0 : i32
    %dma_start3A_20 = arith.constant 0 : i32
    %dma_start3A_21 = arith.constant 0 : i32
    %dma_start3A_22 = tpu.memref_slice %arg10[%dma_start3A_19, %dma_start3A_20, %dma_start3A_21] : memref<6x64x128xf32, #tpu.memory_space<vmem>> -> memref<1x64x128xf32, #tpu.memory_space<vmem>>
    %dma_start3A_23 = tpu.memref_squeeze %dma_start3A_22 : memref<1x64x128xf32, #tpu.memory_space<vmem>> -> memref<64x128xf32, #tpu.memory_space<vmem>>
    %dma_start3A_24 = arith.constant 0 : i32
    %dma_start3A_25 = tpu.memref_slice %arg8[%dma_start3A_24] : memref<512xi32, #tpu.memory_space<vmem>> -> memref<64xi32, #tpu.memory_space<vmem>>
    %dma_start3A_26 = arith.constant 0 : i32
    %dma_start3A_27 = arith.constant 0 : i32
    %dma_start3A_28 = tpu.memref_slice %arg5[%dma_start3A_26, %dma_start3A_27] : memref<100000x128xf32, #tpu.memory_space<hbm>> -> memref<100000x128xf32, #tpu.memory_space<hbm>>
    tpu.enqueue_indirect_dma source(%dma_start3A_28 : memref<100000x128xf32, #tpu.memory_space<hbm>>) target(%dma_start3A_23 : memref<64x128xf32, #tpu.memory_space<vmem>>) offsets(%dma_start3A_25 : memref<64xi32, #tpu.memory_space<vmem>>) semaphore(%arg11 : memref<!tpu.dma_semaphore, #tpu.memory_space<semaphore_mem>>)
    %dma_start3A_29 = arith.constant 1 : i32
    %dma_start3A_30 = arith.constant 0 : i32
    %dma_start3A_31 = arith.constant 0 : i32
    %dma_start3A_32 = tpu.memref_slice %arg9[%dma_start3A_29, %dma_start3A_30, %dma_start3A_31] : memref<6x64x128xf32, #tpu.memory_space<vmem>> -> memref<1x64x128xf32, #tpu.memory_space<vmem>>
    %dma_start3A_33 = tpu.memref_squeeze %dma_start3A_32 : memref<1x64x128xf32, #tpu.memory_space<vmem>> -> memref<64x128xf32, #tpu.memory_space<vmem>>
    %dma_start3A_34 = arith.constant 64 : i32
    %dma_start3A_35 = tpu.memref_slice %arg7[%dma_start3A_34] : memref<512xi32, #tpu.memory_space<vmem>> -> memref<64xi32, #tpu.memory_space<vmem>>
    %dma_start3A_36 = arith.constant 0 : i32
    %dma_start3A_37 = arith.constant 0 : i32
    %dma_start3A_38 = tpu.memref_slice %arg4[%dma_start3A_36, %dma_start3A_37] : memref<1000x128xf32, #tpu.memory_space<hbm>> -> memref<1000x128xf32, #tpu.memory_space<hbm>>
    tpu.enqueue_indirect_dma source(%dma_start3A_38 : memref<1000x128xf32, #tpu.memory_space<hbm>>) target(%dma_start3A_33 : memref<64x128xf32, #tpu.memory_space<vmem>>) offsets(%dma_start3A_35 : memref<64xi32, #tpu.memory_space<vmem>>) semaphore(%arg12 : memref<!tpu.dma_semaphore, #tpu.memory_space<semaphore_mem>>)
    %dma_start3A_39 = arith.constant 1 : i32
    %dma_start3A_40 = arith.constant 0 : i32
    %dma_start3A_41 = arith.constant 0 : i32
    %dma_start3A_42 = tpu.memref_slice %arg10[%dma_start3A_39, %dma_start3A_40, %dma_start3A_41] : memref<6x64x128xf32, #tpu.memory_space<vmem>> -> memref<1x64x128xf32, #tpu.memory_space<vmem>>
    %dma_start3A_43 = tpu.memref_squeeze %dma_start3A_42 : memref<1x64x128xf32, #tpu.memory_space<vmem>> -> memref<64x128xf32, #tpu.memory_space<vmem>>
    %dma_start3A_44 = arith.constant 64 : i32
    %dma_start3A_45 = tpu.memref_slice %arg8[%dma_start3A_44] : memref<512xi32, #tpu.memory_space<vmem>> -> memref<64xi32, #tpu.memory_space<vmem>>
    %dma_start3A_46 = arith.constant 0 : i32
    %dma_start3A_47 = arith.constant 0 : i32
    %dma_start3A_48 = tpu.memref_slice %arg5[%dma_start3A_46, %dma_start3A_47] : memref<100000x128xf32, #tpu.memory_space<hbm>> -> memref<100000x128xf32, #tpu.memory_space<hbm>>
    tpu.enqueue_indirect_dma source(%dma_start3A_48 : memref<100000x128xf32, #tpu.memory_space<hbm>>) target(%dma_start3A_43 : memref<64x128xf32, #tpu.memory_space<vmem>>) offsets(%dma_start3A_45 : memref<64xi32, #tpu.memory_space<vmem>>) semaphore(%arg12 : memref<!tpu.dma_semaphore, #tpu.memory_space<semaphore_mem>>)
    %dma_start3A_49 = arith.constant 2 : i32
    %dma_start3A_50 = arith.constant 0 : i32
    %dma_start3A_51 = arith.constant 0 : i32
    %dma_start3A_52 = tpu.memref_slice %arg9[%dma_start3A_49, %dma_start3A_50, %dma_start3A_51] : memref<6x64x128xf32, #tpu.memory_space<vmem>> -> memref<1x64x128xf32, #tpu.memory_space<vmem>>
    %dma_start3A_53 = tpu.memref_squeeze %dma_start3A_52 : memref<1x64x128xf32, #tpu.memory_space<vmem>> -> memref<64x128xf32, #tpu.memory_space<vmem>>
    %dma_start3A_54 = arith.constant 128 : i32
    %dma_start3A_55 = tpu.memref_slice %arg7[%dma_start3A_54] : memref<512xi32, #tpu.memory_space<vmem>> -> memref<64xi32, #tpu.memory_space<vmem>>
    %dma_start3A_56 = arith.constant 0 : i32
    %dma_start3A_57 = arith.constant 0 : i32
    %dma_start3A_58 = tpu.memref_slice %arg4[%dma_start3A_56, %dma_start3A_57] : memref<1000x128xf32, #tpu.memory_space<hbm>> -> memref<1000x128xf32, #tpu.memory_space<hbm>>
    tpu.enqueue_indirect_dma source(%dma_start3A_58 : memref<1000x128xf32, #tpu.memory_space<hbm>>) target(%dma_start3A_53 : memref<64x128xf32, #tpu.memory_space<vmem>>) offsets(%dma_start3A_55 : memref<64xi32, #tpu.memory_space<vmem>>) semaphore(%arg13 : memref<!tpu.dma_semaphore, #tpu.memory_space<semaphore_mem>>)
    %dma_start3A_59 = arith.constant 2 : i32
    %dma_start3A_60 = arith.constant 0 : i32
    %dma_start3A_61 = arith.constant 0 : i32
    %dma_start3A_62 = tpu.memref_slice %arg10[%dma_start3A_59, %dma_start3A_60, %dma_start3A_61] : memref<6x64x128xf32, #tpu.memory_space<vmem>> -> memref<1x64x128xf32, #tpu.memory_space<vmem>>
    %dma_start3A_63 = tpu.memref_squeeze %dma_start3A_62 : memref<1x64x128xf32, #tpu.memory_space<vmem>> -> memref<64x128xf32, #tpu.memory_space<vmem>>
    %dma_start3A_64 = arith.constant 128 : i32
    %dma_start3A_65 = tpu.memref_slice %arg8[%dma_start3A_64] : memref<512xi32, #tpu.memory_space<vmem>> -> memref<64xi32, #tpu.memory_space<vmem>>
    %dma_start3A_66 = arith.constant 0 : i32
    %dma_start3A_67 = arith.constant 0 : i32
    %dma_start3A_68 = tpu.memref_slice %arg5[%dma_start3A_66, %dma_start3A_67] : memref<100000x128xf32, #tpu.memory_space<hbm>> -> memref<100000x128xf32, #tpu.memory_space<hbm>>
    tpu.enqueue_indirect_dma source(%dma_start3A_68 : memref<100000x128xf32, #tpu.memory_space<hbm>>) target(%dma_start3A_63 : memref<64x128xf32, #tpu.memory_space<vmem>>) offsets(%dma_start3A_65 : memref<64xi32, #tpu.memory_space<vmem>>) semaphore(%arg13 : memref<!tpu.dma_semaphore, #tpu.memory_space<semaphore_mem>>)
    %dma_start3A_69 = arith.constant 3 : i32
    %dma_start3A_70 = arith.constant 0 : i32
    %dma_start3A_71 = arith.constant 0 : i32
    %dma_start3A_72 = tpu.memref_slice %arg9[%dma_start3A_69, %dma_start3A_70, %dma_start3A_71] : memref<6x64x128xf32, #tpu.memory_space<vmem>> -> memref<1x64x128xf32, #tpu.memory_space<vmem>>
    %dma_start3A_73 = tpu.memref_squeeze %dma_start3A_72 : memref<1x64x128xf32, #tpu.memory_space<vmem>> -> memref<64x128xf32, #tpu.memory_space<vmem>>
    %dma_start3A_74 = arith.constant 192 : i32
    %dma_start3A_75 = tpu.memref_slice %arg7[%dma_start3A_74] : memref<512xi32, #tpu.memory_space<vmem>> -> memref<64xi32, #tpu.memory_space<vmem>>
    %dma_start3A_76 = arith.constant 0 : i32
    %dma_start3A_77 = arith.constant 0 : i32
    %dma_start3A_78 = tpu.memref_slice %arg4[%dma_start3A_76, %dma_start3A_77] : memref<1000x128xf32, #tpu.memory_space<hbm>> -> memref<1000x128xf32, #tpu.memory_space<hbm>>
    tpu.enqueue_indirect_dma source(%dma_start3A_78 : memref<1000x128xf32, #tpu.memory_space<hbm>>) target(%dma_start3A_73 : memref<64x128xf32, #tpu.memory_space<vmem>>) offsets(%dma_start3A_75 : memref<64xi32, #tpu.memory_space<vmem>>) semaphore(%arg14 : memref<!tpu.dma_semaphore, #tpu.memory_space<semaphore_mem>>)
    %dma_start3A_79 = arith.constant 3 : i32
    %dma_start3A_80 = arith.constant 0 : i32
    %dma_start3A_81 = arith.constant 0 : i32
    %dma_start3A_82 = tpu.memref_slice %arg10[%dma_start3A_79, %dma_start3A_80, %dma_start3A_81] : memref<6x64x128xf32, #tpu.memory_space<vmem>> -> memref<1x64x128xf32, #tpu.memory_space<vmem>>
    %dma_start3A_83 = tpu.memref_squeeze %dma_start3A_82 : memref<1x64x128xf32, #tpu.memory_space<vmem>> -> memref<64x128xf32, #tpu.memory_space<vmem>>
    %dma_start3A_84 = arith.constant 192 : i32
    %dma_start3A_85 = tpu.memref_slice %arg8[%dma_start3A_84] : memref<512xi32, #tpu.memory_space<vmem>> -> memref<64xi32, #tpu.memory_space<vmem>>
    %dma_start3A_86 = arith.constant 0 : i32
    %dma_start3A_87 = arith.constant 0 : i32
    %dma_start3A_88 = tpu.memref_slice %arg5[%dma_start3A_86, %dma_start3A_87] : memref<100000x128xf32, #tpu.memory_space<hbm>> -> memref<100000x128xf32, #tpu.memory_space<hbm>>
    tpu.enqueue_indirect_dma source(%dma_start3A_88 : memref<100000x128xf32, #tpu.memory_space<hbm>>) target(%dma_start3A_83 : memref<64x128xf32, #tpu.memory_space<vmem>>) offsets(%dma_start3A_85 : memref<64xi32, #tpu.memory_space<vmem>>) semaphore(%arg14 : memref<!tpu.dma_semaphore, #tpu.memory_space<semaphore_mem>>)
    %dma_start3A_89 = arith.constant 4 : i32
    %dma_start3A_90 = arith.constant 0 : i32
    %dma_start3A_91 = arith.constant 0 : i32
    %dma_start3A_92 = tpu.memref_slice %arg9[%dma_start3A_89, %dma_start3A_90, %dma_start3A_91] : memref<6x64x128xf32, #tpu.memory_space<vmem>> -> memref<1x64x128xf32, #tpu.memory_space<vmem>>
    %dma_start3A_93 = tpu.memref_squeeze %dma_start3A_92 : memref<1x64x128xf32, #tpu.memory_space<vmem>> -> memref<64x128xf32, #tpu.memory_space<vmem>>
    %dma_start3A_94 = arith.constant 256 : i32
    %dma_start3A_95 = tpu.memref_slice %arg7[%dma_start3A_94] : memref<512xi32, #tpu.memory_space<vmem>> -> memref<64xi32, #tpu.memory_space<vmem>>
    %dma_start3A_96 = arith.constant 0 : i32
    %dma_start3A_97 = arith.constant 0 : i32
    %dma_start3A_98 = tpu.memref_slice %arg4[%dma_start3A_96, %dma_start3A_97] : memref<1000x128xf32, #tpu.memory_space<hbm>> -> memref<1000x128xf32, #tpu.memory_space<hbm>>
    tpu.enqueue_indirect_dma source(%dma_start3A_98 : memref<1000x128xf32, #tpu.memory_space<hbm>>) target(%dma_start3A_93 : memref<64x128xf32, #tpu.memory_space<vmem>>) offsets(%dma_start3A_95 : memref<64xi32, #tpu.memory_space<vmem>>) semaphore(%arg15 : memref<!tpu.dma_semaphore, #tpu.memory_space<semaphore_mem>>)
    %dma_start3A_99 = arith.constant 4 : i32
    %dma_start3A_100 = arith.constant 0 : i32
    %dma_start3A_101 = arith.constant 0 : i32
    %dma_start3A_102 = tpu.memref_slice %arg10[%dma_start3A_99, %dma_start3A_100, %dma_start3A_101] : memref<6x64x128xf32, #tpu.memory_space<vmem>> -> memref<1x64x128xf32, #tpu.memory_space<vmem>>
    %dma_start3A_103 = tpu.memref_squeeze %dma_start3A_102 : memref<1x64x128xf32, #tpu.memory_space<vmem>> -> memref<64x128xf32, #tpu.memory_space<vmem>>
    %dma_start3A_104 = arith.constant 256 : i32
    %dma_start3A_105 = tpu.memref_slice %arg8[%dma_start3A_104] : memref<512xi32, #tpu.memory_space<vmem>> -> memref<64xi32, #tpu.memory_space<vmem>>
    %dma_start3A_106 = arith.constant 0 : i32
    %dma_start3A_107 = arith.constant 0 : i32
    %dma_start3A_108 = tpu.memref_slice %arg5[%dma_start3A_106, %dma_start3A_107] : memref<100000x128xf32, #tpu.memory_space<hbm>> -> memref<100000x128xf32, #tpu.memory_space<hbm>>
    tpu.enqueue_indirect_dma source(%dma_start3A_108 : memref<100000x128xf32, #tpu.memory_space<hbm>>) target(%dma_start3A_103 : memref<64x128xf32, #tpu.memory_space<vmem>>) offsets(%dma_start3A_105 : memref<64xi32, #tpu.memory_space<vmem>>) semaphore(%arg15 : memref<!tpu.dma_semaphore, #tpu.memory_space<semaphore_mem>>)
    %dma_start3A_109 = arith.constant 5 : i32
    %dma_start3A_110 = arith.constant 0 : i32
    %dma_start3A_111 = arith.constant 0 : i32
    %dma_start3A_112 = tpu.memref_slice %arg9[%dma_start3A_109, %dma_start3A_110, %dma_start3A_111] : memref<6x64x128xf32, #tpu.memory_space<vmem>> -> memref<1x64x128xf32, #tpu.memory_space<vmem>>
    %dma_start3A_113 = tpu.memref_squeeze %dma_start3A_112 : memref<1x64x128xf32, #tpu.memory_space<vmem>> -> memref<64x128xf32, #tpu.memory_space<vmem>>
    %dma_start3A_114 = arith.constant 320 : i32
    %dma_start3A_115 = tpu.memref_slice %arg7[%dma_start3A_114] : memref<512xi32, #tpu.memory_space<vmem>> -> memref<64xi32, #tpu.memory_space<vmem>>
    %dma_start3A_116 = arith.constant 0 : i32
    %dma_start3A_117 = arith.constant 0 : i32
    %dma_start3A_118 = tpu.memref_slice %arg4[%dma_start3A_116, %dma_start3A_117] : memref<1000x128xf32, #tpu.memory_space<hbm>> -> memref<1000x128xf32, #tpu.memory_space<hbm>>
    tpu.enqueue_indirect_dma source(%dma_start3A_118 : memref<1000x128xf32, #tpu.memory_space<hbm>>) target(%dma_start3A_113 : memref<64x128xf32, #tpu.memory_space<vmem>>) offsets(%dma_start3A_115 : memref<64xi32, #tpu.memory_space<vmem>>) semaphore(%arg16 : memref<!tpu.dma_semaphore, #tpu.memory_space<semaphore_mem>>)
    %dma_start3A_119 = arith.constant 5 : i32
    %dma_start3A_120 = arith.constant 0 : i32
    %dma_start3A_121 = arith.constant 0 : i32
    %dma_start3A_122 = tpu.memref_slice %arg10[%dma_start3A_119, %dma_start3A_120, %dma_start3A_121] : memref<6x64x128xf32, #tpu.memory_space<vmem>> -> memref<1x64x128xf32, #tpu.memory_space<vmem>>
    %dma_start3A_123 = tpu.memref_squeeze %dma_start3A_122 : memref<1x64x128xf32, #tpu.memory_space<vmem>> -> memref<64x128xf32, #tpu.memory_space<vmem>>
    %dma_start3A_124 = arith.constant 320 : i32
    %dma_start3A_125 = tpu.memref_slice %arg8[%dma_start3A_124] : memref<512xi32, #tpu.memory_space<vmem>> -> memref<64xi32, #tpu.memory_space<vmem>>
    %dma_start3A_126 = arith.constant 0 : i32
    %dma_start3A_127 = arith.constant 0 : i32
    %dma_start3A_128 = tpu.memref_slice %arg5[%dma_start3A_126, %dma_start3A_127] : memref<100000x128xf32, #tpu.memory_space<hbm>> -> memref<100000x128xf32, #tpu.memory_space<hbm>>
    tpu.enqueue_indirect_dma source(%dma_start3A_128 : memref<100000x128xf32, #tpu.memory_space<hbm>>) target(%dma_start3A_123 : memref<64x128xf32, #tpu.memory_space<vmem>>) offsets(%dma_start3A_125 : memref<64xi32, #tpu.memory_space<vmem>>) semaphore(%arg16 : memref<!tpu.dma_semaphore, #tpu.memory_space<semaphore_mem>>)
    %dma_wait3A_129 = arith.constant 0 : i32
    %dma_wait3A_130 = arith.constant 0 : i32
    %dma_wait3A_131 = arith.constant 0 : i32
    %dma_wait3A_132 = tpu.memref_slice %arg9[%dma_wait3A_129, %dma_wait3A_130, %dma_wait3A_131] : memref<6x64x128xf32, #tpu.memory_space<vmem>> -> memref<1x64x128xf32, #tpu.memory_space<vmem>>
    %dma_wait3A_133 = tpu.memref_squeeze %dma_wait3A_132 : memref<1x64x128xf32, #tpu.memory_space<vmem>> -> memref<64x128xf32, #tpu.memory_space<vmem>>
    %dma_wait3A_134 = arith.constant 0 : i32
    %dma_wait3A_135 = tpu.memref_slice %arg7[%dma_wait3A_134] : memref<512xi32, #tpu.memory_space<vmem>> -> memref<64xi32, #tpu.memory_space<vmem>>
    %dma_wait3A_136 = arith.constant 0 : i32
    %dma_wait3A_137 = arith.constant 0 : i32
    %dma_wait3A_138 = tpu.memref_slice %arg4[%dma_wait3A_136, %dma_wait3A_137] : memref<1000x128xf32, #tpu.memory_space<hbm>> -> memref<1000x128xf32, #tpu.memory_space<hbm>>
    tpu.wait_indirect_dma semaphore(%arg11 : memref<!tpu.dma_semaphore, #tpu.memory_space<semaphore_mem>>) src(%dma_wait3A_138 : memref<1000x128xf32, #tpu.memory_space<hbm>>) dst(%dma_wait3A_133 : memref<64x128xf32, #tpu.memory_space<vmem>>)
    %dma_wait3A_139 = arith.constant 0 : i32
    %dma_wait3A_140 = arith.constant 0 : i32
    %dma_wait3A_141 = arith.constant 0 : i32
    %dma_wait3A_142 = tpu.memref_slice %arg10[%dma_wait3A_139, %dma_wait3A_140, %dma_wait3A_141] : memref<6x64x128xf32, #tpu.memory_space<vmem>> -> memref<1x64x128xf32, #tpu.memory_space<vmem>>
    %dma_wait3A_143 = tpu.memref_squeeze %dma_wait3A_142 : memref<1x64x128xf32, #tpu.memory_space<vmem>> -> memref<64x128xf32, #tpu.memory_space<vmem>>
    %dma_wait3A_144 = arith.constant 0 : i32
    %dma_wait3A_145 = tpu.memref_slice %arg8[%dma_wait3A_144] : memref<512xi32, #tpu.memory_space<vmem>> -> memref<64xi32, #tpu.memory_space<vmem>>
    %dma_wait3A_146 = arith.constant 0 : i32
    %dma_wait3A_147 = arith.constant 0 : i32
    %dma_wait3A_148 = tpu.memref_slice %arg5[%dma_wait3A_146, %dma_wait3A_147] : memref<100000x128xf32, #tpu.memory_space<hbm>> -> memref<100000x128xf32, #tpu.memory_space<hbm>>
    tpu.wait_indirect_dma semaphore(%arg11 : memref<!tpu.dma_semaphore, #tpu.memory_space<semaphore_mem>>) src(%dma_wait3A_148 : memref<100000x128xf32, #tpu.memory_space<hbm>>) dst(%dma_wait3A_143 : memref<64x128xf32, #tpu.memory_space<vmem>>)
    %add3A_149 = arith.constant 0 : i32
    %add3A_150 = arith.addi %mul3A_2, %add3A_149 : i32
    %dma_start3A_151 = arith.constant 0 : i32
    %dma_start3A_152 = arith.constant 0 : i32
    %dma_start3A_153 = arith.constant 0 : i32
    %dma_start3A_154 = tpu.memref_slice %arg9[%dma_start3A_151, %dma_start3A_152, %dma_start3A_153] : memref<6x64x128xf32, #tpu.memory_space<vmem>> -> memref<1x64x128xf32, #tpu.memory_space<vmem>>
    %dma_start3A_155 = tpu.memref_squeeze %dma_start3A_154 : memref<1x64x128xf32, #tpu.memory_space<vmem>> -> memref<64x128xf32, #tpu.memory_space<vmem>>
    %dma_start3A_156 = arith.constant 0 : i32
    %dma_start3A_157 = tpu.memref_slice %arg6[%add3A_150, %dma_start3A_156] : memref<16384x256xf32, #tpu.memory_space<hbm>> -> memref<64x128xf32, #tpu.memory_space<hbm>>
    %dma_start3A_158 = arith.constant 0 : i32
    %dma_start3A_159 = tpu.memref_slice %arg6[%add3A_150, %dma_start3A_158] : memref<16384x256xf32, #tpu.memory_space<hbm>> -> memref<64x128xf32, #tpu.memory_space<hbm>>
    %dma_start3A_160 = arith.constant 0 : i32
    %dma_start3A_161 = arith.constant 0 : i32
    %dma_start3A_162 = tpu.memref_slice %arg9[%dma_start3A_151, %dma_start3A_160, %dma_start3A_161] : memref<6x64x128xf32, #tpu.memory_space<vmem>> -> memref<1x64x128xf32, #tpu.memory_space<vmem>>
    %dma_start3A_163 = tpu.memref_squeeze %dma_start3A_162 : memref<1x64x128xf32, #tpu.memory_space<vmem>> -> memref<64x128xf32, #tpu.memory_space<vmem>>
    tpu.enqueue_dma source(%dma_start3A_163 : memref<64x128xf32, #tpu.memory_space<vmem>>) target(%dma_start3A_159 : memref<64x128xf32, #tpu.memory_space<hbm>>) target_semaphore(%arg17 : memref<!tpu.dma_semaphore, #tpu.memory_space<semaphore_mem>>)
    %dma_start3A_164 = arith.constant 0 : i32
    %dma_start3A_165 = arith.constant 0 : i32
    %dma_start3A_166 = arith.constant 0 : i32
    %dma_start3A_167 = tpu.memref_slice %arg10[%dma_start3A_164, %dma_start3A_165, %dma_start3A_166] : memref<6x64x128xf32, #tpu.memory_space<vmem>> -> memref<1x64x128xf32, #tpu.memory_space<vmem>>
    %dma_start3A_168 = tpu.memref_squeeze %dma_start3A_167 : memref<1x64x128xf32, #tpu.memory_space<vmem>> -> memref<64x128xf32, #tpu.memory_space<vmem>>
    %dma_start3A_169 = arith.constant 128 : i32
    %dma_start3A_170 = tpu.memref_slice %arg6[%add3A_150, %dma_start3A_169] : memref<16384x256xf32, #tpu.memory_space<hbm>> -> memref<64x128xf32, #tpu.memory_space<hbm>>
    %dma_start3A_171 = arith.constant 128 : i32
    %dma_start3A_172 = tpu.memref_slice %arg6[%add3A_150, %dma_start3A_171] : memref<16384x256xf32, #tpu.memory_space<hbm>> -> memref<64x128xf32, #tpu.memory_space<hbm>>
    %dma_start3A_173 = arith.constant 0 : i32
    %dma_start3A_174 = arith.constant 0 : i32
    %dma_start3A_175 = tpu.memref_slice %arg10[%dma_start3A_164, %dma_start3A_173, %dma_start3A_174] : memref<6x64x128xf32, #tpu.memory_space<vmem>> -> memref<1x64x128xf32, #tpu.memory_space<vmem>>
    %dma_start3A_176 = tpu.memref_squeeze %dma_start3A_175 : memref<1x64x128xf32, #tpu.memory_space<vmem>> -> memref<64x128xf32, #tpu.memory_space<vmem>>
    tpu.enqueue_dma source(%dma_start3A_176 : memref<64x128xf32, #tpu.memory_space<vmem>>) target(%dma_start3A_172 : memref<64x128xf32, #tpu.memory_space<hbm>>) target_semaphore(%arg17 : memref<!tpu.dma_semaphore, #tpu.memory_space<semaphore_mem>>)
    %dma_wait3A_177 = arith.constant 0 : i32
    %dma_wait3A_178 = arith.constant 0 : i32
    %dma_wait3A_179 = arith.constant 0 : i32
    %dma_wait3A_180 = tpu.memref_slice %arg9[%dma_wait3A_177, %dma_wait3A_178, %dma_wait3A_179] : memref<6x64x128xf32, #tpu.memory_space<vmem>> -> memref<1x64x128xf32, #tpu.memory_space<vmem>>
    %dma_wait3A_181 = tpu.memref_squeeze %dma_wait3A_180 : memref<1x64x128xf32, #tpu.memory_space<vmem>> -> memref<64x128xf32, #tpu.memory_space<vmem>>
    %dma_wait3A_182 = arith.constant 0 : i32
    %dma_wait3A_183 = tpu.memref_slice %arg6[%add3A_150, %dma_wait3A_182] : memref<16384x256xf32, #tpu.memory_space<hbm>> -> memref<64x128xf32, #tpu.memory_space<hbm>>
    %dma_wait3A_184 = arith.constant 0 : i32
    %dma_wait3A_185 = tpu.memref_slice %arg6[%add3A_150, %dma_wait3A_184] : memref<16384x256xf32, #tpu.memory_space<hbm>> -> memref<64x128xf32, #tpu.memory_space<hbm>>
    %dma_wait3A_186 = arith.constant 0 : i32
    %dma_wait3A_187 = arith.constant 0 : i32
    %dma_wait3A_188 = tpu.memref_slice %arg9[%dma_wait3A_177, %dma_wait3A_186, %dma_wait3A_187] : memref<6x64x128xf32, #tpu.memory_space<vmem>> -> memref<1x64x128xf32, #tpu.memory_space<vmem>>
    %dma_wait3A_189 = tpu.memref_squeeze %dma_wait3A_188 : memref<1x64x128xf32, #tpu.memory_space<vmem>> -> memref<64x128xf32, #tpu.memory_space<vmem>>
    tpu.wait_dma2 semaphore(%arg17 : memref<!tpu.dma_semaphore, #tpu.memory_space<semaphore_mem>>) src(%dma_wait3A_189 : memref<64x128xf32, #tpu.memory_space<vmem>>) dst(%dma_wait3A_185 : memref<64x128xf32, #tpu.memory_space<hbm>>)
    %dma_wait3A_190 = arith.constant 0 : i32
    %dma_wait3A_191 = arith.constant 0 : i32
    %dma_wait3A_192 = arith.constant 0 : i32
    %dma_wait3A_193 = tpu.memref_slice %arg10[%dma_wait3A_190, %dma_wait3A_191, %dma_wait3A_192] : memref<6x64x128xf32, #tpu.memory_space<vmem>> -> memref<1x64x128xf32, #tpu.memory_space<vmem>>
    %dma_wait3A_194 = tpu.memref_squeeze %dma_wait3A_193 : memref<1x64x128xf32, #tpu.memory_space<vmem>> -> memref<64x128xf32, #tpu.memory_space<vmem>>
    %dma_wait3A_195 = arith.constant 128 : i32
    %dma_wait3A_196 = tpu.memref_slice %arg6[%add3A_150, %dma_wait3A_195] : memref<16384x256xf32, #tpu.memory_space<hbm>> -> memref<64x128xf32, #tpu.memory_space<hbm>>
    %dma_wait3A_197 = arith.constant 128 : i32
    %dma_wait3A_198 = tpu.memref_slice %arg6[%add3A_150, %dma_wait3A_197] : memref<16384x256xf32, #tpu.memory_space<hbm>> -> memref<64x128xf32, #tpu.memory_space<hbm>>
    %dma_wait3A_199 = arith.constant 0 : i32
    %dma_wait3A_200 = arith.constant 0 : i32
    %dma_wait3A_201 = tpu.memref_slice %arg10[%dma_wait3A_190, %dma_wait3A_199, %dma_wait3A_200] : memref<6x64x128xf32, #tpu.memory_space<vmem>> -> memref<1x64x128xf32, #tpu.memory_space<vmem>>
    %dma_wait3A_202 = tpu.memref_squeeze %dma_wait3A_201 : memref<1x64x128xf32, #tpu.memory_space<vmem>> -> memref<64x128xf32, #tpu.memory_space<vmem>>
    tpu.wait_dma2 semaphore(%arg17 : memref<!tpu.dma_semaphore, #tpu.memory_space<semaphore_mem>>) src(%dma_wait3A_202 : memref<64x128xf32, #tpu.memory_space<vmem>>) dst(%dma_wait3A_198 : memref<64x128xf32, #tpu.memory_space<hbm>>)
    %dma_start3A_203 = arith.constant 0 : i32
    %dma_start3A_204 = arith.constant 0 : i32
    %dma_start3A_205 = arith.constant 0 : i32
    %dma_start3A_206 = tpu.memref_slice %arg9[%dma_start3A_203, %dma_start3A_204, %dma_start3A_205] : memref<6x64x128xf32, #tpu.memory_space<vmem>> -> memref<1x64x128xf32, #tpu.memory_space<vmem>>
    %dma_start3A_207 = tpu.memref_squeeze %dma_start3A_206 : memref<1x64x128xf32, #tpu.memory_space<vmem>> -> memref<64x128xf32, #tpu.memory_space<vmem>>
    %dma_start3A_208 = arith.constant 384 : i32
    %dma_start3A_209 = tpu.memref_slice %arg7[%dma_start3A_208] : memref<512xi32, #tpu.memory_space<vmem>> -> memref<64xi32, #tpu.memory_space<vmem>>
    %dma_start3A_210 = arith.constant 0 : i32
    %dma_start3A_211 = arith.constant 0 : i32
    %dma_start3A_212 = tpu.memref_slice %arg4[%dma_start3A_210, %dma_start3A_211] : memref<1000x128xf32, #tpu.memory_space<hbm>> -> memref<1000x128xf32, #tpu.memory_space<hbm>>
    tpu.enqueue_indirect_dma source(%dma_start3A_212 : memref<1000x128xf32, #tpu.memory_space<hbm>>) target(%dma_start3A_207 : memref<64x128xf32, #tpu.memory_space<vmem>>) offsets(%dma_start3A_209 : memref<64xi32, #tpu.memory_space<vmem>>) semaphore(%arg11 : memref<!tpu.dma_semaphore, #tpu.memory_space<semaphore_mem>>)
    %dma_start3A_213 = arith.constant 0 : i32
    %dma_start3A_214 = arith.constant 0 : i32
    %dma_start3A_215 = arith.constant 0 : i32
    %dma_start3A_216 = tpu.memref_slice %arg10[%dma_start3A_213, %dma_start3A_214, %dma_start3A_215] : memref<6x64x128xf32, #tpu.memory_space<vmem>> -> memref<1x64x128xf32, #tpu.memory_space<vmem>>
    %dma_start3A_217 = tpu.memref_squeeze %dma_start3A_216 : memref<1x64x128xf32, #tpu.memory_space<vmem>> -> memref<64x128xf32, #tpu.memory_space<vmem>>
    %dma_start3A_218 = arith.constant 384 : i32
    %dma_start3A_219 = tpu.memref_slice %arg8[%dma_start3A_218] : memref<512xi32, #tpu.memory_space<vmem>> -> memref<64xi32, #tpu.memory_space<vmem>>
    %dma_start3A_220 = arith.constant 0 : i32
    %dma_start3A_221 = arith.constant 0 : i32
    %dma_start3A_222 = tpu.memref_slice %arg5[%dma_start3A_220, %dma_start3A_221] : memref<100000x128xf32, #tpu.memory_space<hbm>> -> memref<100000x128xf32, #tpu.memory_space<hbm>>
    tpu.enqueue_indirect_dma source(%dma_start3A_222 : memref<100000x128xf32, #tpu.memory_space<hbm>>) target(%dma_start3A_217 : memref<64x128xf32, #tpu.memory_space<vmem>>) offsets(%dma_start3A_219 : memref<64xi32, #tpu.memory_space<vmem>>) semaphore(%arg11 : memref<!tpu.dma_semaphore, #tpu.memory_space<semaphore_mem>>)
    %dma_wait3A_223 = arith.constant 1 : i32
    %dma_wait3A_224 = arith.constant 0 : i32
    %dma_wait3A_225 = arith.constant 0 : i32
    %dma_wait3A_226 = tpu.memref_slice %arg9[%dma_wait3A_223, %dma_wait3A_224, %dma_wait3A_225] : memref<6x64x128xf32, #tpu.memory_space<vmem>> -> memref<1x64x128xf32, #tpu.memory_space<vmem>>
    %dma_wait3A_227 = tpu.memref_squeeze %dma_wait3A_226 : memref<1x64x128xf32, #tpu.memory_space<vmem>> -> memref<64x128xf32, #tpu.memory_space<vmem>>
    %dma_wait3A_228 = arith.constant 64 : i32
    %dma_wait3A_229 = tpu.memref_slice %arg7[%dma_wait3A_228] : memref<512xi32, #tpu.memory_space<vmem>> -> memref<64xi32, #tpu.memory_space<vmem>>
    %dma_wait3A_230 = arith.constant 0 : i32
    %dma_wait3A_231 = arith.constant 0 : i32
    %dma_wait3A_232 = tpu.memref_slice %arg4[%dma_wait3A_230, %dma_wait3A_231] : memref<1000x128xf32, #tpu.memory_space<hbm>> -> memref<1000x128xf32, #tpu.memory_space<hbm>>
    tpu.wait_indirect_dma semaphore(%arg12 : memref<!tpu.dma_semaphore, #tpu.memory_space<semaphore_mem>>) src(%dma_wait3A_232 : memref<1000x128xf32, #tpu.memory_space<hbm>>) dst(%dma_wait3A_227 : memref<64x128xf32, #tpu.memory_space<vmem>>)
    %dma_wait3A_233 = arith.constant 1 : i32
    %dma_wait3A_234 = arith.constant 0 : i32
    %dma_wait3A_235 = arith.constant 0 : i32
    %dma_wait3A_236 = tpu.memref_slice %arg10[%dma_wait3A_233, %dma_wait3A_234, %dma_wait3A_235] : memref<6x64x128xf32, #tpu.memory_space<vmem>> -> memref<1x64x128xf32, #tpu.memory_space<vmem>>
    %dma_wait3A_237 = tpu.memref_squeeze %dma_wait3A_236 : memref<1x64x128xf32, #tpu.memory_space<vmem>> -> memref<64x128xf32, #tpu.memory_space<vmem>>
    %dma_wait3A_238 = arith.constant 64 : i32
    %dma_wait3A_239 = tpu.memref_slice %arg8[%dma_wait3A_238] : memref<512xi32, #tpu.memory_space<vmem>> -> memref<64xi32, #tpu.memory_space<vmem>>
    %dma_wait3A_240 = arith.constant 0 : i32
    %dma_wait3A_241 = arith.constant 0 : i32
    %dma_wait3A_242 = tpu.memref_slice %arg5[%dma_wait3A_240, %dma_wait3A_241] : memref<100000x128xf32, #tpu.memory_space<hbm>> -> memref<100000x128xf32, #tpu.memory_space<hbm>>
    tpu.wait_indirect_dma semaphore(%arg12 : memref<!tpu.dma_semaphore, #tpu.memory_space<semaphore_mem>>) src(%dma_wait3A_242 : memref<100000x128xf32, #tpu.memory_space<hbm>>) dst(%dma_wait3A_237 : memref<64x128xf32, #tpu.memory_space<vmem>>)
    %add3A_243 = arith.constant 64 : i32
    %add3A_244 = arith.addi %mul3A_2, %add3A_243 : i32
    %dma_start3A_245 = arith.constant 1 : i32
    %dma_start3A_246 = arith.constant 0 : i32
    %dma_start3A_247 = arith.constant 0 : i32
    %dma_start3A_248 = tpu.memref_slice %arg9[%dma_start3A_245, %dma_start3A_246, %dma_start3A_247] : memref<6x64x128xf32, #tpu.memory_space<vmem>> -> memref<1x64x128xf32, #tpu.memory_space<vmem>>
    %dma_start3A_249 = tpu.memref_squeeze %dma_start3A_248 : memref<1x64x128xf32, #tpu.memory_space<vmem>> -> memref<64x128xf32, #tpu.memory_space<vmem>>
    %dma_start3A_250 = arith.constant 0 : i32
    %dma_start3A_251 = tpu.memref_slice %arg6[%add3A_244, %dma_start3A_250] : memref<16384x256xf32, #tpu.memory_space<hbm>> -> memref<64x128xf32, #tpu.memory_space<hbm>>
    %dma_start3A_252 = arith.constant 0 : i32
    %dma_start3A_253 = tpu.memref_slice %arg6[%add3A_244, %dma_start3A_252] : memref<16384x256xf32, #tpu.memory_space<hbm>> -> memref<64x128xf32, #tpu.memory_space<hbm>>
    %dma_start3A_254 = arith.constant 0 : i32
    %dma_start3A_255 = arith.constant 0 : i32
    %dma_start3A_256 = tpu.memref_slice %arg9[%dma_start3A_245, %dma_start3A_254, %dma_start3A_255] : memref<6x64x128xf32, #tpu.memory_space<vmem>> -> memref<1x64x128xf32, #tpu.memory_space<vmem>>
    %dma_start3A_257 = tpu.memref_squeeze %dma_start3A_256 : memref<1x64x128xf32, #tpu.memory_space<vmem>> -> memref<64x128xf32, #tpu.memory_space<vmem>>
    tpu.enqueue_dma source(%dma_start3A_257 : memref<64x128xf32, #tpu.memory_space<vmem>>) target(%dma_start3A_253 : memref<64x128xf32, #tpu.memory_space<hbm>>) target_semaphore(%arg18 : memref<!tpu.dma_semaphore, #tpu.memory_space<semaphore_mem>>)
    %dma_start3A_258 = arith.constant 1 : i32
    %dma_start3A_259 = arith.constant 0 : i32
    %dma_start3A_260 = arith.constant 0 : i32
    %dma_start3A_261 = tpu.memref_slice %arg10[%dma_start3A_258, %dma_start3A_259, %dma_start3A_260] : memref<6x64x128xf32, #tpu.memory_space<vmem>> -> memref<1x64x128xf32, #tpu.memory_space<vmem>>
    %dma_start3A_262 = tpu.memref_squeeze %dma_start3A_261 : memref<1x64x128xf32, #tpu.memory_space<vmem>> -> memref<64x128xf32, #tpu.memory_space<vmem>>
    %dma_start3A_263 = arith.constant 128 : i32
    %dma_start3A_264 = tpu.memref_slice %arg6[%add3A_244, %dma_start3A_263] : memref<16384x256xf32, #tpu.memory_space<hbm>> -> memref<64x128xf32, #tpu.memory_space<hbm>>
    %dma_start3A_265 = arith.constant 128 : i32
    %dma_start3A_266 = tpu.memref_slice %arg6[%add3A_244, %dma_start3A_265] : memref<16384x256xf32, #tpu.memory_space<hbm>> -> memref<64x128xf32, #tpu.memory_space<hbm>>
    %dma_start3A_267 = arith.constant 0 : i32
    %dma_start3A_268 = arith.constant 0 : i32
    %dma_start3A_269 = tpu.memref_slice %arg10[%dma_start3A_258, %dma_start3A_267, %dma_start3A_268] : memref<6x64x128xf32, #tpu.memory_space<vmem>> -> memref<1x64x128xf32, #tpu.memory_space<vmem>>
    %dma_start3A_270 = tpu.memref_squeeze %dma_start3A_269 : memref<1x64x128xf32, #tpu.memory_space<vmem>> -> memref<64x128xf32, #tpu.memory_space<vmem>>
    tpu.enqueue_dma source(%dma_start3A_270 : memref<64x128xf32, #tpu.memory_space<vmem>>) target(%dma_start3A_266 : memref<64x128xf32, #tpu.memory_space<hbm>>) target_semaphore(%arg18 : memref<!tpu.dma_semaphore, #tpu.memory_space<semaphore_mem>>)
    %dma_wait3A_271 = arith.constant 1 : i32
    %dma_wait3A_272 = arith.constant 0 : i32
    %dma_wait3A_273 = arith.constant 0 : i32
    %dma_wait3A_274 = tpu.memref_slice %arg9[%dma_wait3A_271, %dma_wait3A_272, %dma_wait3A_273] : memref<6x64x128xf32, #tpu.memory_space<vmem>> -> memref<1x64x128xf32, #tpu.memory_space<vmem>>
    %dma_wait3A_275 = tpu.memref_squeeze %dma_wait3A_274 : memref<1x64x128xf32, #tpu.memory_space<vmem>> -> memref<64x128xf32, #tpu.memory_space<vmem>>
    %dma_wait3A_276 = arith.constant 0 : i32
    %dma_wait3A_277 = tpu.memref_slice %arg6[%add3A_244, %dma_wait3A_276] : memref<16384x256xf32, #tpu.memory_space<hbm>> -> memref<64x128xf32, #tpu.memory_space<hbm>>
    %dma_wait3A_278 = arith.constant 0 : i32
    %dma_wait3A_279 = tpu.memref_slice %arg6[%add3A_244, %dma_wait3A_278] : memref<16384x256xf32, #tpu.memory_space<hbm>> -> memref<64x128xf32, #tpu.memory_space<hbm>>
    %dma_wait3A_280 = arith.constant 0 : i32
    %dma_wait3A_281 = arith.constant 0 : i32
    %dma_wait3A_282 = tpu.memref_slice %arg9[%dma_wait3A_271, %dma_wait3A_280, %dma_wait3A_281] : memref<6x64x128xf32, #tpu.memory_space<vmem>> -> memref<1x64x128xf32, #tpu.memory_space<vmem>>
    %dma_wait3A_283 = tpu.memref_squeeze %dma_wait3A_282 : memref<1x64x128xf32, #tpu.memory_space<vmem>> -> memref<64x128xf32, #tpu.memory_space<vmem>>
    tpu.wait_dma2 semaphore(%arg18 : memref<!tpu.dma_semaphore, #tpu.memory_space<semaphore_mem>>) src(%dma_wait3A_283 : memref<64x128xf32, #tpu.memory_space<vmem>>) dst(%dma_wait3A_279 : memref<64x128xf32, #tpu.memory_space<hbm>>)
    %dma_wait3A_284 = arith.constant 1 : i32
    %dma_wait3A_285 = arith.constant 0 : i32
    %dma_wait3A_286 = arith.constant 0 : i32
    %dma_wait3A_287 = tpu.memref_slice %arg10[%dma_wait3A_284, %dma_wait3A_285, %dma_wait3A_286] : memref<6x64x128xf32, #tpu.memory_space<vmem>> -> memref<1x64x128xf32, #tpu.memory_space<vmem>>
    %dma_wait3A_288 = tpu.memref_squeeze %dma_wait3A_287 : memref<1x64x128xf32, #tpu.memory_space<vmem>> -> memref<64x128xf32, #tpu.memory_space<vmem>>
    %dma_wait3A_289 = arith.constant 128 : i32
    %dma_wait3A_290 = tpu.memref_slice %arg6[%add3A_244, %dma_wait3A_289] : memref<16384x256xf32, #tpu.memory_space<hbm>> -> memref<64x128xf32, #tpu.memory_space<hbm>>
    %dma_wait3A_291 = arith.constant 128 : i32
    %dma_wait3A_292 = tpu.memref_slice %arg6[%add3A_244, %dma_wait3A_291] : memref<16384x256xf32, #tpu.memory_space<hbm>> -> memref<64x128xf32, #tpu.memory_space<hbm>>
    %dma_wait3A_293 = arith.constant 0 : i32
    %dma_wait3A_294 = arith.constant 0 : i32
    %dma_wait3A_295 = tpu.memref_slice %arg10[%dma_wait3A_284, %dma_wait3A_293, %dma_wait3A_294] : memref<6x64x128xf32, #tpu.memory_space<vmem>> -> memref<1x64x128xf32, #tpu.memory_space<vmem>>
    %dma_wait3A_296 = tpu.memref_squeeze %dma_wait3A_295 : memref<1x64x128xf32, #tpu.memory_space<vmem>> -> memref<64x128xf32, #tpu.memory_space<vmem>>
    tpu.wait_dma2 semaphore(%arg18 : memref<!tpu.dma_semaphore, #tpu.memory_space<semaphore_mem>>) src(%dma_wait3A_296 : memref<64x128xf32, #tpu.memory_space<vmem>>) dst(%dma_wait3A_292 : memref<64x128xf32, #tpu.memory_space<hbm>>)
    %dma_start3A_297 = arith.constant 1 : i32
    %dma_start3A_298 = arith.constant 0 : i32
    %dma_start3A_299 = arith.constant 0 : i32
    %dma_start3A_300 = tpu.memref_slice %arg9[%dma_start3A_297, %dma_start3A_298, %dma_start3A_299] : memref<6x64x128xf32, #tpu.memory_space<vmem>> -> memref<1x64x128xf32, #tpu.memory_space<vmem>>
    %dma_start3A_301 = tpu.memref_squeeze %dma_start3A_300 : memref<1x64x128xf32, #tpu.memory_space<vmem>> -> memref<64x128xf32, #tpu.memory_space<vmem>>
    %dma_start3A_302 = arith.constant 448 : i32
    %dma_start3A_303 = tpu.memref_slice %arg7[%dma_start3A_302] : memref<512xi32, #tpu.memory_space<vmem>> -> memref<64xi32, #tpu.memory_space<vmem>>
    %dma_start3A_304 = arith.constant 0 : i32
    %dma_start3A_305 = arith.constant 0 : i32
    %dma_start3A_306 = tpu.memref_slice %arg4[%dma_start3A_304, %dma_start3A_305] : memref<1000x128xf32, #tpu.memory_space<hbm>> -> memref<1000x128xf32, #tpu.memory_space<hbm>>
    tpu.enqueue_indirect_dma source(%dma_start3A_306 : memref<1000x128xf32, #tpu.memory_space<hbm>>) target(%dma_start3A_301 : memref<64x128xf32, #tpu.memory_space<vmem>>) offsets(%dma_start3A_303 : memref<64xi32, #tpu.memory_space<vmem>>) semaphore(%arg12 : memref<!tpu.dma_semaphore, #tpu.memory_space<semaphore_mem>>)
    %dma_start3A_307 = arith.constant 1 : i32
    %dma_start3A_308 = arith.constant 0 : i32
    %dma_start3A_309 = arith.constant 0 : i32
    %dma_start3A_310 = tpu.memref_slice %arg10[%dma_start3A_307, %dma_start3A_308, %dma_start3A_309] : memref<6x64x128xf32, #tpu.memory_space<vmem>> -> memref<1x64x128xf32, #tpu.memory_space<vmem>>
    %dma_start3A_311 = tpu.memref_squeeze %dma_start3A_310 : memref<1x64x128xf32, #tpu.memory_space<vmem>> -> memref<64x128xf32, #tpu.memory_space<vmem>>
    %dma_start3A_312 = arith.constant 448 : i32
    %dma_start3A_313 = tpu.memref_slice %arg8[%dma_start3A_312] : memref<512xi32, #tpu.memory_space<vmem>> -> memref<64xi32, #tpu.memory_space<vmem>>
    %dma_start3A_314 = arith.constant 0 : i32
    %dma_start3A_315 = arith.constant 0 : i32
    %dma_start3A_316 = tpu.memref_slice %arg5[%dma_start3A_314, %dma_start3A_315] : memref<100000x128xf32, #tpu.memory_space<hbm>> -> memref<100000x128xf32, #tpu.memory_space<hbm>>
    tpu.enqueue_indirect_dma source(%dma_start3A_316 : memref<100000x128xf32, #tpu.memory_space<hbm>>) target(%dma_start3A_311 : memref<64x128xf32, #tpu.memory_space<vmem>>) offsets(%dma_start3A_313 : memref<64xi32, #tpu.memory_space<vmem>>) semaphore(%arg12 : memref<!tpu.dma_semaphore, #tpu.memory_space<semaphore_mem>>)
    %dma_wait3A_317 = arith.constant 2 : i32
    %dma_wait3A_318 = arith.constant 0 : i32
    %dma_wait3A_319 = arith.constant 0 : i32
    %dma_wait3A_320 = tpu.memref_slice %arg9[%dma_wait3A_317, %dma_wait3A_318, %dma_wait3A_319] : memref<6x64x128xf32, #tpu.memory_space<vmem>> -> memref<1x64x128xf32, #tpu.memory_space<vmem>>
    %dma_wait3A_321 = tpu.memref_squeeze %dma_wait3A_320 : memref<1x64x128xf32, #tpu.memory_space<vmem>> -> memref<64x128xf32, #tpu.memory_space<vmem>>
    %dma_wait3A_322 = arith.constant 128 : i32
    %dma_wait3A_323 = tpu.memref_slice %arg7[%dma_wait3A_322] : memref<512xi32, #tpu.memory_space<vmem>> -> memref<64xi32, #tpu.memory_space<vmem>>
    %dma_wait3A_324 = arith.constant 0 : i32
    %dma_wait3A_325 = arith.constant 0 : i32
    %dma_wait3A_326 = tpu.memref_slice %arg4[%dma_wait3A_324, %dma_wait3A_325] : memref<1000x128xf32, #tpu.memory_space<hbm>> -> memref<1000x128xf32, #tpu.memory_space<hbm>>
    tpu.wait_indirect_dma semaphore(%arg13 : memref<!tpu.dma_semaphore, #tpu.memory_space<semaphore_mem>>) src(%dma_wait3A_326 : memref<1000x128xf32, #tpu.memory_space<hbm>>) dst(%dma_wait3A_321 : memref<64x128xf32, #tpu.memory_space<vmem>>)
    %dma_wait3A_327 = arith.constant 2 : i32
    %dma_wait3A_328 = arith.constant 0 : i32
    %dma_wait3A_329 = arith.constant 0 : i32
    %dma_wait3A_330 = tpu.memref_slice %arg10[%dma_wait3A_327, %dma_wait3A_328, %dma_wait3A_329] : memref<6x64x128xf32, #tpu.memory_space<vmem>> -> memref<1x64x128xf32, #tpu.memory_space<vmem>>
    %dma_wait3A_331 = tpu.memref_squeeze %dma_wait3A_330 : memref<1x64x128xf32, #tpu.memory_space<vmem>> -> memref<64x128xf32, #tpu.memory_space<vmem>>
    %dma_wait3A_332 = arith.constant 128 : i32
    %dma_wait3A_333 = tpu.memref_slice %arg8[%dma_wait3A_332] : memref<512xi32, #tpu.memory_space<vmem>> -> memref<64xi32, #tpu.memory_space<vmem>>
    %dma_wait3A_334 = arith.constant 0 : i32
    %dma_wait3A_335 = arith.constant 0 : i32
    %dma_wait3A_336 = tpu.memref_slice %arg5[%dma_wait3A_334, %dma_wait3A_335] : memref<100000x128xf32, #tpu.memory_space<hbm>> -> memref<100000x128xf32, #tpu.memory_space<hbm>>
    tpu.wait_indirect_dma semaphore(%arg13 : memref<!tpu.dma_semaphore, #tpu.memory_space<semaphore_mem>>) src(%dma_wait3A_336 : memref<100000x128xf32, #tpu.memory_space<hbm>>) dst(%dma_wait3A_331 : memref<64x128xf32, #tpu.memory_space<vmem>>)
    %add3A_337 = arith.constant 128 : i32
    %add3A_338 = arith.addi %mul3A_2, %add3A_337 : i32
    %dma_start3A_339 = arith.constant 2 : i32
    %dma_start3A_340 = arith.constant 0 : i32
    %dma_start3A_341 = arith.constant 0 : i32
    %dma_start3A_342 = tpu.memref_slice %arg9[%dma_start3A_339, %dma_start3A_340, %dma_start3A_341] : memref<6x64x128xf32, #tpu.memory_space<vmem>> -> memref<1x64x128xf32, #tpu.memory_space<vmem>>
    %dma_start3A_343 = tpu.memref_squeeze %dma_start3A_342 : memref<1x64x128xf32, #tpu.memory_space<vmem>> -> memref<64x128xf32, #tpu.memory_space<vmem>>
    %dma_start3A_344 = arith.constant 0 : i32
    %dma_start3A_345 = tpu.memref_slice %arg6[%add3A_338, %dma_start3A_344] : memref<16384x256xf32, #tpu.memory_space<hbm>> -> memref<64x128xf32, #tpu.memory_space<hbm>>
    %dma_start3A_346 = arith.constant 0 : i32
    %dma_start3A_347 = tpu.memref_slice %arg6[%add3A_338, %dma_start3A_346] : memref<16384x256xf32, #tpu.memory_space<hbm>> -> memref<64x128xf32, #tpu.memory_space<hbm>>
    %dma_start3A_348 = arith.constant 0 : i32
    %dma_start3A_349 = arith.constant 0 : i32
    %dma_start3A_350 = tpu.memref_slice %arg9[%dma_start3A_339, %dma_start3A_348, %dma_start3A_349] : memref<6x64x128xf32, #tpu.memory_space<vmem>> -> memref<1x64x128xf32, #tpu.memory_space<vmem>>
    %dma_start3A_351 = tpu.memref_squeeze %dma_start3A_350 : memref<1x64x128xf32, #tpu.memory_space<vmem>> -> memref<64x128xf32, #tpu.memory_space<vmem>>
    tpu.enqueue_dma source(%dma_start3A_351 : memref<64x128xf32, #tpu.memory_space<vmem>>) target(%dma_start3A_347 : memref<64x128xf32, #tpu.memory_space<hbm>>) target_semaphore(%arg19 : memref<!tpu.dma_semaphore, #tpu.memory_space<semaphore_mem>>)
    %dma_start3A_352 = arith.constant 2 : i32
    %dma_start3A_353 = arith.constant 0 : i32
    %dma_start3A_354 = arith.constant 0 : i32
    %dma_start3A_355 = tpu.memref_slice %arg10[%dma_start3A_352, %dma_start3A_353, %dma_start3A_354] : memref<6x64x128xf32, #tpu.memory_space<vmem>> -> memref<1x64x128xf32, #tpu.memory_space<vmem>>
    %dma_start3A_356 = tpu.memref_squeeze %dma_start3A_355 : memref<1x64x128xf32, #tpu.memory_space<vmem>> -> memref<64x128xf32, #tpu.memory_space<vmem>>
    %dma_start3A_357 = arith.constant 128 : i32
    %dma_start3A_358 = tpu.memref_slice %arg6[%add3A_338, %dma_start3A_357] : memref<16384x256xf32, #tpu.memory_space<hbm>> -> memref<64x128xf32, #tpu.memory_space<hbm>>
    %dma_start3A_359 = arith.constant 128 : i32
    %dma_start3A_360 = tpu.memref_slice %arg6[%add3A_338, %dma_start3A_359] : memref<16384x256xf32, #tpu.memory_space<hbm>> -> memref<64x128xf32, #tpu.memory_space<hbm>>
    %dma_start3A_361 = arith.constant 0 : i32
    %dma_start3A_362 = arith.constant 0 : i32
    %dma_start3A_363 = tpu.memref_slice %arg10[%dma_start3A_352, %dma_start3A_361, %dma_start3A_362] : memref<6x64x128xf32, #tpu.memory_space<vmem>> -> memref<1x64x128xf32, #tpu.memory_space<vmem>>
    %dma_start3A_364 = tpu.memref_squeeze %dma_start3A_363 : memref<1x64x128xf32, #tpu.memory_space<vmem>> -> memref<64x128xf32, #tpu.memory_space<vmem>>
    tpu.enqueue_dma source(%dma_start3A_364 : memref<64x128xf32, #tpu.memory_space<vmem>>) target(%dma_start3A_360 : memref<64x128xf32, #tpu.memory_space<hbm>>) target_semaphore(%arg19 : memref<!tpu.dma_semaphore, #tpu.memory_space<semaphore_mem>>)
    %dma_wait3A_365 = arith.constant 3 : i32
    %dma_wait3A_366 = arith.constant 0 : i32
    %dma_wait3A_367 = arith.constant 0 : i32
    %dma_wait3A_368 = tpu.memref_slice %arg9[%dma_wait3A_365, %dma_wait3A_366, %dma_wait3A_367] : memref<6x64x128xf32, #tpu.memory_space<vmem>> -> memref<1x64x128xf32, #tpu.memory_space<vmem>>
    %dma_wait3A_369 = tpu.memref_squeeze %dma_wait3A_368 : memref<1x64x128xf32, #tpu.memory_space<vmem>> -> memref<64x128xf32, #tpu.memory_space<vmem>>
    %dma_wait3A_370 = arith.constant 192 : i32
    %dma_wait3A_371 = tpu.memref_slice %arg7[%dma_wait3A_370] : memref<512xi32, #tpu.memory_space<vmem>> -> memref<64xi32, #tpu.memory_space<vmem>>
    %dma_wait3A_372 = arith.constant 0 : i32
    %dma_wait3A_373 = arith.constant 0 : i32
    %dma_wait3A_374 = tpu.memref_slice %arg4[%dma_wait3A_372, %dma_wait3A_373] : memref<1000x128xf32, #tpu.memory_space<hbm>> -> memref<1000x128xf32, #tpu.memory_space<hbm>>
    tpu.wait_indirect_dma semaphore(%arg14 : memref<!tpu.dma_semaphore, #tpu.memory_space<semaphore_mem>>) src(%dma_wait3A_374 : memref<1000x128xf32, #tpu.memory_space<hbm>>) dst(%dma_wait3A_369 : memref<64x128xf32, #tpu.memory_space<vmem>>)
    %dma_wait3A_375 = arith.constant 3 : i32
    %dma_wait3A_376 = arith.constant 0 : i32
    %dma_wait3A_377 = arith.constant 0 : i32
    %dma_wait3A_378 = tpu.memref_slice %arg10[%dma_wait3A_375, %dma_wait3A_376, %dma_wait3A_377] : memref<6x64x128xf32, #tpu.memory_space<vmem>> -> memref<1x64x128xf32, #tpu.memory_space<vmem>>
    %dma_wait3A_379 = tpu.memref_squeeze %dma_wait3A_378 : memref<1x64x128xf32, #tpu.memory_space<vmem>> -> memref<64x128xf32, #tpu.memory_space<vmem>>
    %dma_wait3A_380 = arith.constant 192 : i32
    %dma_wait3A_381 = tpu.memref_slice %arg8[%dma_wait3A_380] : memref<512xi32, #tpu.memory_space<vmem>> -> memref<64xi32, #tpu.memory_space<vmem>>
    %dma_wait3A_382 = arith.constant 0 : i32
    %dma_wait3A_383 = arith.constant 0 : i32
    %dma_wait3A_384 = tpu.memref_slice %arg5[%dma_wait3A_382, %dma_wait3A_383] : memref<100000x128xf32, #tpu.memory_space<hbm>> -> memref<100000x128xf32, #tpu.memory_space<hbm>>
    tpu.wait_indirect_dma semaphore(%arg14 : memref<!tpu.dma_semaphore, #tpu.memory_space<semaphore_mem>>) src(%dma_wait3A_384 : memref<100000x128xf32, #tpu.memory_space<hbm>>) dst(%dma_wait3A_379 : memref<64x128xf32, #tpu.memory_space<vmem>>)
    %add3A_385 = arith.constant 192 : i32
    %add3A_386 = arith.addi %mul3A_2, %add3A_385 : i32
    %dma_start3A_387 = arith.constant 3 : i32
    %dma_start3A_388 = arith.constant 0 : i32
    %dma_start3A_389 = arith.constant 0 : i32
    %dma_start3A_390 = tpu.memref_slice %arg9[%dma_start3A_387, %dma_start3A_388, %dma_start3A_389] : memref<6x64x128xf32, #tpu.memory_space<vmem>> -> memref<1x64x128xf32, #tpu.memory_space<vmem>>
    %dma_start3A_391 = tpu.memref_squeeze %dma_start3A_390 : memref<1x64x128xf32, #tpu.memory_space<vmem>> -> memref<64x128xf32, #tpu.memory_space<vmem>>
    %dma_start3A_392 = arith.constant 0 : i32
    %dma_start3A_393 = tpu.memref_slice %arg6[%add3A_386, %dma_start3A_392] : memref<16384x256xf32, #tpu.memory_space<hbm>> -> memref<64x128xf32, #tpu.memory_space<hbm>>
    %dma_start3A_394 = arith.constant 0 : i32
    %dma_start3A_395 = tpu.memref_slice %arg6[%add3A_386, %dma_start3A_394] : memref<16384x256xf32, #tpu.memory_space<hbm>> -> memref<64x128xf32, #tpu.memory_space<hbm>>
    %dma_start3A_396 = arith.constant 0 : i32
    %dma_start3A_397 = arith.constant 0 : i32
    %dma_start3A_398 = tpu.memref_slice %arg9[%dma_start3A_387, %dma_start3A_396, %dma_start3A_397] : memref<6x64x128xf32, #tpu.memory_space<vmem>> -> memref<1x64x128xf32, #tpu.memory_space<vmem>>
    %dma_start3A_399 = tpu.memref_squeeze %dma_start3A_398 : memref<1x64x128xf32, #tpu.memory_space<vmem>> -> memref<64x128xf32, #tpu.memory_space<vmem>>
    tpu.enqueue_dma source(%dma_start3A_399 : memref<64x128xf32, #tpu.memory_space<vmem>>) target(%dma_start3A_395 : memref<64x128xf32, #tpu.memory_space<hbm>>) target_semaphore(%arg20 : memref<!tpu.dma_semaphore, #tpu.memory_space<semaphore_mem>>)
    %dma_start3A_400 = arith.constant 3 : i32
    %dma_start3A_401 = arith.constant 0 : i32
    %dma_start3A_402 = arith.constant 0 : i32
    %dma_start3A_403 = tpu.memref_slice %arg10[%dma_start3A_400, %dma_start3A_401, %dma_start3A_402] : memref<6x64x128xf32, #tpu.memory_space<vmem>> -> memref<1x64x128xf32, #tpu.memory_space<vmem>>
    %dma_start3A_404 = tpu.memref_squeeze %dma_start3A_403 : memref<1x64x128xf32, #tpu.memory_space<vmem>> -> memref<64x128xf32, #tpu.memory_space<vmem>>
    %dma_start3A_405 = arith.constant 128 : i32
    %dma_start3A_406 = tpu.memref_slice %arg6[%add3A_386, %dma_start3A_405] : memref<16384x256xf32, #tpu.memory_space<hbm>> -> memref<64x128xf32, #tpu.memory_space<hbm>>
    %dma_start3A_407 = arith.constant 128 : i32
    %dma_start3A_408 = tpu.memref_slice %arg6[%add3A_386, %dma_start3A_407] : memref<16384x256xf32, #tpu.memory_space<hbm>> -> memref<64x128xf32, #tpu.memory_space<hbm>>
    %dma_start3A_409 = arith.constant 0 : i32
    %dma_start3A_410 = arith.constant 0 : i32
    %dma_start3A_411 = tpu.memref_slice %arg10[%dma_start3A_400, %dma_start3A_409, %dma_start3A_410] : memref<6x64x128xf32, #tpu.memory_space<vmem>> -> memref<1x64x128xf32, #tpu.memory_space<vmem>>
    %dma_start3A_412 = tpu.memref_squeeze %dma_start3A_411 : memref<1x64x128xf32, #tpu.memory_space<vmem>> -> memref<64x128xf32, #tpu.memory_space<vmem>>
    tpu.enqueue_dma source(%dma_start3A_412 : memref<64x128xf32, #tpu.memory_space<vmem>>) target(%dma_start3A_408 : memref<64x128xf32, #tpu.memory_space<hbm>>) target_semaphore(%arg20 : memref<!tpu.dma_semaphore, #tpu.memory_space<semaphore_mem>>)
    %dma_wait3A_413 = arith.constant 4 : i32
    %dma_wait3A_414 = arith.constant 0 : i32
    %dma_wait3A_415 = arith.constant 0 : i32
    %dma_wait3A_416 = tpu.memref_slice %arg9[%dma_wait3A_413, %dma_wait3A_414, %dma_wait3A_415] : memref<6x64x128xf32, #tpu.memory_space<vmem>> -> memref<1x64x128xf32, #tpu.memory_space<vmem>>
    %dma_wait3A_417 = tpu.memref_squeeze %dma_wait3A_416 : memref<1x64x128xf32, #tpu.memory_space<vmem>> -> memref<64x128xf32, #tpu.memory_space<vmem>>
    %dma_wait3A_418 = arith.constant 256 : i32
    %dma_wait3A_419 = tpu.memref_slice %arg7[%dma_wait3A_418] : memref<512xi32, #tpu.memory_space<vmem>> -> memref<64xi32, #tpu.memory_space<vmem>>
    %dma_wait3A_420 = arith.constant 0 : i32
    %dma_wait3A_421 = arith.constant 0 : i32
    %dma_wait3A_422 = tpu.memref_slice %arg4[%dma_wait3A_420, %dma_wait3A_421] : memref<1000x128xf32, #tpu.memory_space<hbm>> -> memref<1000x128xf32, #tpu.memory_space<hbm>>
    tpu.wait_indirect_dma semaphore(%arg15 : memref<!tpu.dma_semaphore, #tpu.memory_space<semaphore_mem>>) src(%dma_wait3A_422 : memref<1000x128xf32, #tpu.memory_space<hbm>>) dst(%dma_wait3A_417 : memref<64x128xf32, #tpu.memory_space<vmem>>)
    %dma_wait3A_423 = arith.constant 4 : i32
    %dma_wait3A_424 = arith.constant 0 : i32
    %dma_wait3A_425 = arith.constant 0 : i32
    %dma_wait3A_426 = tpu.memref_slice %arg10[%dma_wait3A_423, %dma_wait3A_424, %dma_wait3A_425] : memref<6x64x128xf32, #tpu.memory_space<vmem>> -> memref<1x64x128xf32, #tpu.memory_space<vmem>>
    %dma_wait3A_427 = tpu.memref_squeeze %dma_wait3A_426 : memref<1x64x128xf32, #tpu.memory_space<vmem>> -> memref<64x128xf32, #tpu.memory_space<vmem>>
    %dma_wait3A_428 = arith.constant 256 : i32
    %dma_wait3A_429 = tpu.memref_slice %arg8[%dma_wait3A_428] : memref<512xi32, #tpu.memory_space<vmem>> -> memref<64xi32, #tpu.memory_space<vmem>>
    %dma_wait3A_430 = arith.constant 0 : i32
    %dma_wait3A_431 = arith.constant 0 : i32
    %dma_wait3A_432 = tpu.memref_slice %arg5[%dma_wait3A_430, %dma_wait3A_431] : memref<100000x128xf32, #tpu.memory_space<hbm>> -> memref<100000x128xf32, #tpu.memory_space<hbm>>
    tpu.wait_indirect_dma semaphore(%arg15 : memref<!tpu.dma_semaphore, #tpu.memory_space<semaphore_mem>>) src(%dma_wait3A_432 : memref<100000x128xf32, #tpu.memory_space<hbm>>) dst(%dma_wait3A_427 : memref<64x128xf32, #tpu.memory_space<vmem>>)
    %add3A_433 = arith.constant 256 : i32
    %add3A_434 = arith.addi %mul3A_2, %add3A_433 : i32
    %dma_start3A_435 = arith.constant 4 : i32
    %dma_start3A_436 = arith.constant 0 : i32
    %dma_start3A_437 = arith.constant 0 : i32
    %dma_start3A_438 = tpu.memref_slice %arg9[%dma_start3A_435, %dma_start3A_436, %dma_start3A_437] : memref<6x64x128xf32, #tpu.memory_space<vmem>> -> memref<1x64x128xf32, #tpu.memory_space<vmem>>
    %dma_start3A_439 = tpu.memref_squeeze %dma_start3A_438 : memref<1x64x128xf32, #tpu.memory_space<vmem>> -> memref<64x128xf32, #tpu.memory_space<vmem>>
    %dma_start3A_440 = arith.constant 0 : i32
    %dma_start3A_441 = tpu.memref_slice %arg6[%add3A_434, %dma_start3A_440] : memref<16384x256xf32, #tpu.memory_space<hbm>> -> memref<64x128xf32, #tpu.memory_space<hbm>>
    %dma_start3A_442 = arith.constant 0 : i32
    %dma_start3A_443 = tpu.memref_slice %arg6[%add3A_434, %dma_start3A_442] : memref<16384x256xf32, #tpu.memory_space<hbm>> -> memref<64x128xf32, #tpu.memory_space<hbm>>
    %dma_start3A_444 = arith.constant 0 : i32
    %dma_start3A_445 = arith.constant 0 : i32
    %dma_start3A_446 = tpu.memref_slice %arg9[%dma_start3A_435, %dma_start3A_444, %dma_start3A_445] : memref<6x64x128xf32, #tpu.memory_space<vmem>> -> memref<1x64x128xf32, #tpu.memory_space<vmem>>
    %dma_start3A_447 = tpu.memref_squeeze %dma_start3A_446 : memref<1x64x128xf32, #tpu.memory_space<vmem>> -> memref<64x128xf32, #tpu.memory_space<vmem>>
    tpu.enqueue_dma source(%dma_start3A_447 : memref<64x128xf32, #tpu.memory_space<vmem>>) target(%dma_start3A_443 : memref<64x128xf32, #tpu.memory_space<hbm>>) target_semaphore(%arg21 : memref<!tpu.dma_semaphore, #tpu.memory_space<semaphore_mem>>)
    %dma_start3A_448 = arith.constant 4 : i32
    %dma_start3A_449 = arith.constant 0 : i32
    %dma_start3A_450 = arith.constant 0 : i32
    %dma_start3A_451 = tpu.memref_slice %arg10[%dma_start3A_448, %dma_start3A_449, %dma_start3A_450] : memref<6x64x128xf32, #tpu.memory_space<vmem>> -> memref<1x64x128xf32, #tpu.memory_space<vmem>>
    %dma_start3A_452 = tpu.memref_squeeze %dma_start3A_451 : memref<1x64x128xf32, #tpu.memory_space<vmem>> -> memref<64x128xf32, #tpu.memory_space<vmem>>
    %dma_start3A_453 = arith.constant 128 : i32
    %dma_start3A_454 = tpu.memref_slice %arg6[%add3A_434, %dma_start3A_453] : memref<16384x256xf32, #tpu.memory_space<hbm>> -> memref<64x128xf32, #tpu.memory_space<hbm>>
    %dma_start3A_455 = arith.constant 128 : i32
    %dma_start3A_456 = tpu.memref_slice %arg6[%add3A_434, %dma_start3A_455] : memref<16384x256xf32, #tpu.memory_space<hbm>> -> memref<64x128xf32, #tpu.memory_space<hbm>>
    %dma_start3A_457 = arith.constant 0 : i32
    %dma_start3A_458 = arith.constant 0 : i32
    %dma_start3A_459 = tpu.memref_slice %arg10[%dma_start3A_448, %dma_start3A_457, %dma_start3A_458] : memref<6x64x128xf32, #tpu.memory_space<vmem>> -> memref<1x64x128xf32, #tpu.memory_space<vmem>>
    %dma_start3A_460 = tpu.memref_squeeze %dma_start3A_459 : memref<1x64x128xf32, #tpu.memory_space<vmem>> -> memref<64x128xf32, #tpu.memory_space<vmem>>
    tpu.enqueue_dma source(%dma_start3A_460 : memref<64x128xf32, #tpu.memory_space<vmem>>) target(%dma_start3A_456 : memref<64x128xf32, #tpu.memory_space<hbm>>) target_semaphore(%arg21 : memref<!tpu.dma_semaphore, #tpu.memory_space<semaphore_mem>>)
    %dma_wait3A_461 = arith.constant 5 : i32
    %dma_wait3A_462 = arith.constant 0 : i32
    %dma_wait3A_463 = arith.constant 0 : i32
    %dma_wait3A_464 = tpu.memref_slice %arg9[%dma_wait3A_461, %dma_wait3A_462, %dma_wait3A_463] : memref<6x64x128xf32, #tpu.memory_space<vmem>> -> memref<1x64x128xf32, #tpu.memory_space<vmem>>
    %dma_wait3A_465 = tpu.memref_squeeze %dma_wait3A_464 : memref<1x64x128xf32, #tpu.memory_space<vmem>> -> memref<64x128xf32, #tpu.memory_space<vmem>>
    %dma_wait3A_466 = arith.constant 320 : i32
    %dma_wait3A_467 = tpu.memref_slice %arg7[%dma_wait3A_466] : memref<512xi32, #tpu.memory_space<vmem>> -> memref<64xi32, #tpu.memory_space<vmem>>
    %dma_wait3A_468 = arith.constant 0 : i32
    %dma_wait3A_469 = arith.constant 0 : i32
    %dma_wait3A_470 = tpu.memref_slice %arg4[%dma_wait3A_468, %dma_wait3A_469] : memref<1000x128xf32, #tpu.memory_space<hbm>> -> memref<1000x128xf32, #tpu.memory_space<hbm>>
    tpu.wait_indirect_dma semaphore(%arg16 : memref<!tpu.dma_semaphore, #tpu.memory_space<semaphore_mem>>) src(%dma_wait3A_470 : memref<1000x128xf32, #tpu.memory_space<hbm>>) dst(%dma_wait3A_465 : memref<64x128xf32, #tpu.memory_space<vmem>>)
    %dma_wait3A_471 = arith.constant 5 : i32
    %dma_wait3A_472 = arith.constant 0 : i32
    %dma_wait3A_473 = arith.constant 0 : i32
    %dma_wait3A_474 = tpu.memref_slice %arg10[%dma_wait3A_471, %dma_wait3A_472, %dma_wait3A_473] : memref<6x64x128xf32, #tpu.memory_space<vmem>> -> memref<1x64x128xf32, #tpu.memory_space<vmem>>
    %dma_wait3A_475 = tpu.memref_squeeze %dma_wait3A_474 : memref<1x64x128xf32, #tpu.memory_space<vmem>> -> memref<64x128xf32, #tpu.memory_space<vmem>>
    %dma_wait3A_476 = arith.constant 320 : i32
    %dma_wait3A_477 = tpu.memref_slice %arg8[%dma_wait3A_476] : memref<512xi32, #tpu.memory_space<vmem>> -> memref<64xi32, #tpu.memory_space<vmem>>
    %dma_wait3A_478 = arith.constant 0 : i32
    %dma_wait3A_479 = arith.constant 0 : i32
    %dma_wait3A_480 = tpu.memref_slice %arg5[%dma_wait3A_478, %dma_wait3A_479] : memref<100000x128xf32, #tpu.memory_space<hbm>> -> memref<100000x128xf32, #tpu.memory_space<hbm>>
    tpu.wait_indirect_dma semaphore(%arg16 : memref<!tpu.dma_semaphore, #tpu.memory_space<semaphore_mem>>) src(%dma_wait3A_480 : memref<100000x128xf32, #tpu.memory_space<hbm>>) dst(%dma_wait3A_475 : memref<64x128xf32, #tpu.memory_space<vmem>>)
    %add3A_481 = arith.constant 320 : i32
    %add3A_482 = arith.addi %mul3A_2, %add3A_481 : i32
    %dma_start3A_483 = arith.constant 5 : i32
    %dma_start3A_484 = arith.constant 0 : i32
    %dma_start3A_485 = arith.constant 0 : i32
    %dma_start3A_486 = tpu.memref_slice %arg9[%dma_start3A_483, %dma_start3A_484, %dma_start3A_485] : memref<6x64x128xf32, #tpu.memory_space<vmem>> -> memref<1x64x128xf32, #tpu.memory_space<vmem>>
    %dma_start3A_487 = tpu.memref_squeeze %dma_start3A_486 : memref<1x64x128xf32, #tpu.memory_space<vmem>> -> memref<64x128xf32, #tpu.memory_space<vmem>>
    %dma_start3A_488 = arith.constant 0 : i32
    %dma_start3A_489 = tpu.memref_slice %arg6[%add3A_482, %dma_start3A_488] : memref<16384x256xf32, #tpu.memory_space<hbm>> -> memref<64x128xf32, #tpu.memory_space<hbm>>
    %dma_start3A_490 = arith.constant 0 : i32
    %dma_start3A_491 = tpu.memref_slice %arg6[%add3A_482, %dma_start3A_490] : memref<16384x256xf32, #tpu.memory_space<hbm>> -> memref<64x128xf32, #tpu.memory_space<hbm>>
    %dma_start3A_492 = arith.constant 0 : i32
    %dma_start3A_493 = arith.constant 0 : i32
    %dma_start3A_494 = tpu.memref_slice %arg9[%dma_start3A_483, %dma_start3A_492, %dma_start3A_493] : memref<6x64x128xf32, #tpu.memory_space<vmem>> -> memref<1x64x128xf32, #tpu.memory_space<vmem>>
    %dma_start3A_495 = tpu.memref_squeeze %dma_start3A_494 : memref<1x64x128xf32, #tpu.memory_space<vmem>> -> memref<64x128xf32, #tpu.memory_space<vmem>>
    tpu.enqueue_dma source(%dma_start3A_495 : memref<64x128xf32, #tpu.memory_space<vmem>>) target(%dma_start3A_491 : memref<64x128xf32, #tpu.memory_space<hbm>>) target_semaphore(%arg22 : memref<!tpu.dma_semaphore, #tpu.memory_space<semaphore_mem>>)
    %dma_start3A_496 = arith.constant 5 : i32
    %dma_start3A_497 = arith.constant 0 : i32
    %dma_start3A_498 = arith.constant 0 : i32
    %dma_start3A_499 = tpu.memref_slice %arg10[%dma_start3A_496, %dma_start3A_497, %dma_start3A_498] : memref<6x64x128xf32, #tpu.memory_space<vmem>> -> memref<1x64x128xf32, #tpu.memory_space<vmem>>
    %dma_start3A_500 = tpu.memref_squeeze %dma_start3A_499 : memref<1x64x128xf32, #tpu.memory_space<vmem>> -> memref<64x128xf32, #tpu.memory_space<vmem>>
    %dma_start3A_501 = arith.constant 128 : i32
    %dma_start3A_502 = tpu.memref_slice %arg6[%add3A_482, %dma_start3A_501] : memref<16384x256xf32, #tpu.memory_space<hbm>> -> memref<64x128xf32, #tpu.memory_space<hbm>>
    %dma_start3A_503 = arith.constant 128 : i32
    %dma_start3A_504 = tpu.memref_slice %arg6[%add3A_482, %dma_start3A_503] : memref<16384x256xf32, #tpu.memory_space<hbm>> -> memref<64x128xf32, #tpu.memory_space<hbm>>
    %dma_start3A_505 = arith.constant 0 : i32
    %dma_start3A_506 = arith.constant 0 : i32
    %dma_start3A_507 = tpu.memref_slice %arg10[%dma_start3A_496, %dma_start3A_505, %dma_start3A_506] : memref<6x64x128xf32, #tpu.memory_space<vmem>> -> memref<1x64x128xf32, #tpu.memory_space<vmem>>
    %dma_start3A_508 = tpu.memref_squeeze %dma_start3A_507 : memref<1x64x128xf32, #tpu.memory_space<vmem>> -> memref<64x128xf32, #tpu.memory_space<vmem>>
    tpu.enqueue_dma source(%dma_start3A_508 : memref<64x128xf32, #tpu.memory_space<vmem>>) target(%dma_start3A_504 : memref<64x128xf32, #tpu.memory_space<hbm>>) target_semaphore(%arg22 : memref<!tpu.dma_semaphore, #tpu.memory_space<semaphore_mem>>)
    %dma_wait3A_509 = arith.constant 0 : i32
    %dma_wait3A_510 = arith.constant 0 : i32
    %dma_wait3A_511 = arith.constant 0 : i32
    %dma_wait3A_512 = tpu.memref_slice %arg9[%dma_wait3A_509, %dma_wait3A_510, %dma_wait3A_511] : memref<6x64x128xf32, #tpu.memory_space<vmem>> -> memref<1x64x128xf32, #tpu.memory_space<vmem>>
    %dma_wait3A_513 = tpu.memref_squeeze %dma_wait3A_512 : memref<1x64x128xf32, #tpu.memory_space<vmem>> -> memref<64x128xf32, #tpu.memory_space<vmem>>
    %dma_wait3A_514 = arith.constant 384 : i32
    %dma_wait3A_515 = tpu.memref_slice %arg7[%dma_wait3A_514] : memref<512xi32, #tpu.memory_space<vmem>> -> memref<64xi32, #tpu.memory_space<vmem>>
    %dma_wait3A_516 = arith.constant 0 : i32
    %dma_wait3A_517 = arith.constant 0 : i32
    %dma_wait3A_518 = tpu.memref_slice %arg4[%dma_wait3A_516, %dma_wait3A_517] : memref<1000x128xf32, #tpu.memory_space<hbm>> -> memref<1000x128xf32, #tpu.memory_space<hbm>>
    tpu.wait_indirect_dma semaphore(%arg11 : memref<!tpu.dma_semaphore, #tpu.memory_space<semaphore_mem>>) src(%dma_wait3A_518 : memref<1000x128xf32, #tpu.memory_space<hbm>>) dst(%dma_wait3A_513 : memref<64x128xf32, #tpu.memory_space<vmem>>)
    %dma_wait3A_519 = arith.constant 0 : i32
    %dma_wait3A_520 = arith.constant 0 : i32
    %dma_wait3A_521 = arith.constant 0 : i32
    %dma_wait3A_522 = tpu.memref_slice %arg10[%dma_wait3A_519, %dma_wait3A_520, %dma_wait3A_521] : memref<6x64x128xf32, #tpu.memory_space<vmem>> -> memref<1x64x128xf32, #tpu.memory_space<vmem>>
    %dma_wait3A_523 = tpu.memref_squeeze %dma_wait3A_522 : memref<1x64x128xf32, #tpu.memory_space<vmem>> -> memref<64x128xf32, #tpu.memory_space<vmem>>
    %dma_wait3A_524 = arith.constant 384 : i32
    %dma_wait3A_525 = tpu.memref_slice %arg8[%dma_wait3A_524] : memref<512xi32, #tpu.memory_space<vmem>> -> memref<64xi32, #tpu.memory_space<vmem>>
    %dma_wait3A_526 = arith.constant 0 : i32
    %dma_wait3A_527 = arith.constant 0 : i32
    %dma_wait3A_528 = tpu.memref_slice %arg5[%dma_wait3A_526, %dma_wait3A_527] : memref<100000x128xf32, #tpu.memory_space<hbm>> -> memref<100000x128xf32, #tpu.memory_space<hbm>>
    tpu.wait_indirect_dma semaphore(%arg11 : memref<!tpu.dma_semaphore, #tpu.memory_space<semaphore_mem>>) src(%dma_wait3A_528 : memref<100000x128xf32, #tpu.memory_space<hbm>>) dst(%dma_wait3A_523 : memref<64x128xf32, #tpu.memory_space<vmem>>)
    %add3A_529 = arith.constant 384 : i32
    %add3A_530 = arith.addi %mul3A_2, %add3A_529 : i32
    %dma_start3A_531 = arith.constant 0 : i32
    %dma_start3A_532 = arith.constant 0 : i32
    %dma_start3A_533 = arith.constant 0 : i32
    %dma_start3A_534 = tpu.memref_slice %arg9[%dma_start3A_531, %dma_start3A_532, %dma_start3A_533] : memref<6x64x128xf32, #tpu.memory_space<vmem>> -> memref<1x64x128xf32, #tpu.memory_space<vmem>>
    %dma_start3A_535 = tpu.memref_squeeze %dma_start3A_534 : memref<1x64x128xf32, #tpu.memory_space<vmem>> -> memref<64x128xf32, #tpu.memory_space<vmem>>
    %dma_start3A_536 = arith.constant 0 : i32
    %dma_start3A_537 = tpu.memref_slice %arg6[%add3A_530, %dma_start3A_536] : memref<16384x256xf32, #tpu.memory_space<hbm>> -> memref<64x128xf32, #tpu.memory_space<hbm>>
    %dma_start3A_538 = arith.constant 0 : i32
    %dma_start3A_539 = tpu.memref_slice %arg6[%add3A_530, %dma_start3A_538] : memref<16384x256xf32, #tpu.memory_space<hbm>> -> memref<64x128xf32, #tpu.memory_space<hbm>>
    %dma_start3A_540 = arith.constant 0 : i32
    %dma_start3A_541 = arith.constant 0 : i32
    %dma_start3A_542 = tpu.memref_slice %arg9[%dma_start3A_531, %dma_start3A_540, %dma_start3A_541] : memref<6x64x128xf32, #tpu.memory_space<vmem>> -> memref<1x64x128xf32, #tpu.memory_space<vmem>>
    %dma_start3A_543 = tpu.memref_squeeze %dma_start3A_542 : memref<1x64x128xf32, #tpu.memory_space<vmem>> -> memref<64x128xf32, #tpu.memory_space<vmem>>
    tpu.enqueue_dma source(%dma_start3A_543 : memref<64x128xf32, #tpu.memory_space<vmem>>) target(%dma_start3A_539 : memref<64x128xf32, #tpu.memory_space<hbm>>) target_semaphore(%arg17 : memref<!tpu.dma_semaphore, #tpu.memory_space<semaphore_mem>>)
    %dma_start3A_544 = arith.constant 0 : i32
    %dma_start3A_545 = arith.constant 0 : i32
    %dma_start3A_546 = arith.constant 0 : i32
    %dma_start3A_547 = tpu.memref_slice %arg10[%dma_start3A_544, %dma_start3A_545, %dma_start3A_546] : memref<6x64x128xf32, #tpu.memory_space<vmem>> -> memref<1x64x128xf32, #tpu.memory_space<vmem>>
    %dma_start3A_548 = tpu.memref_squeeze %dma_start3A_547 : memref<1x64x128xf32, #tpu.memory_space<vmem>> -> memref<64x128xf32, #tpu.memory_space<vmem>>
    %dma_start3A_549 = arith.constant 128 : i32
    %dma_start3A_550 = tpu.memref_slice %arg6[%add3A_530, %dma_start3A_549] : memref<16384x256xf32, #tpu.memory_space<hbm>> -> memref<64x128xf32, #tpu.memory_space<hbm>>
    %dma_start3A_551 = arith.constant 128 : i32
    %dma_start3A_552 = tpu.memref_slice %arg6[%add3A_530, %dma_start3A_551] : memref<16384x256xf32, #tpu.memory_space<hbm>> -> memref<64x128xf32, #tpu.memory_space<hbm>>
    %dma_start3A_553 = arith.constant 0 : i32
    %dma_start3A_554 = arith.constant 0 : i32
    %dma_start3A_555 = tpu.memref_slice %arg10[%dma_start3A_544, %dma_start3A_553, %dma_start3A_554] : memref<6x64x128xf32, #tpu.memory_space<vmem>> -> memref<1x64x128xf32, #tpu.memory_space<vmem>>
    %dma_start3A_556 = tpu.memref_squeeze %dma_start3A_555 : memref<1x64x128xf32, #tpu.memory_space<vmem>> -> memref<64x128xf32, #tpu.memory_space<vmem>>
    tpu.enqueue_dma source(%dma_start3A_556 : memref<64x128xf32, #tpu.memory_space<vmem>>) target(%dma_start3A_552 : memref<64x128xf32, #tpu.memory_space<hbm>>) target_semaphore(%arg17 : memref<!tpu.dma_semaphore, #tpu.memory_space<semaphore_mem>>)
    %dma_wait3A_557 = arith.constant 1 : i32
    %dma_wait3A_558 = arith.constant 0 : i32
    %dma_wait3A_559 = arith.constant 0 : i32
    %dma_wait3A_560 = tpu.memref_slice %arg9[%dma_wait3A_557, %dma_wait3A_558, %dma_wait3A_559] : memref<6x64x128xf32, #tpu.memory_space<vmem>> -> memref<1x64x128xf32, #tpu.memory_space<vmem>>
    %dma_wait3A_561 = tpu.memref_squeeze %dma_wait3A_560 : memref<1x64x128xf32, #tpu.memory_space<vmem>> -> memref<64x128xf32, #tpu.memory_space<vmem>>
    %dma_wait3A_562 = arith.constant 448 : i32
    %dma_wait3A_563 = tpu.memref_slice %arg7[%dma_wait3A_562] : memref<512xi32, #tpu.memory_space<vmem>> -> memref<64xi32, #tpu.memory_space<vmem>>
    %dma_wait3A_564 = arith.constant 0 : i32
    %dma_wait3A_565 = arith.constant 0 : i32
    %dma_wait3A_566 = tpu.memref_slice %arg4[%dma_wait3A_564, %dma_wait3A_565] : memref<1000x128xf32, #tpu.memory_space<hbm>> -> memref<1000x128xf32, #tpu.memory_space<hbm>>
    tpu.wait_indirect_dma semaphore(%arg12 : memref<!tpu.dma_semaphore, #tpu.memory_space<semaphore_mem>>) src(%dma_wait3A_566 : memref<1000x128xf32, #tpu.memory_space<hbm>>) dst(%dma_wait3A_561 : memref<64x128xf32, #tpu.memory_space<vmem>>)
    %dma_wait3A_567 = arith.constant 1 : i32
    %dma_wait3A_568 = arith.constant 0 : i32
    %dma_wait3A_569 = arith.constant 0 : i32
    %dma_wait3A_570 = tpu.memref_slice %arg10[%dma_wait3A_567, %dma_wait3A_568, %dma_wait3A_569] : memref<6x64x128xf32, #tpu.memory_space<vmem>> -> memref<1x64x128xf32, #tpu.memory_space<vmem>>
    %dma_wait3A_571 = tpu.memref_squeeze %dma_wait3A_570 : memref<1x64x128xf32, #tpu.memory_space<vmem>> -> memref<64x128xf32, #tpu.memory_space<vmem>>
    %dma_wait3A_572 = arith.constant 448 : i32
    %dma_wait3A_573 = tpu.memref_slice %arg8[%dma_wait3A_572] : memref<512xi32, #tpu.memory_space<vmem>> -> memref<64xi32, #tpu.memory_space<vmem>>
    %dma_wait3A_574 = arith.constant 0 : i32
    %dma_wait3A_575 = arith.constant 0 : i32
    %dma_wait3A_576 = tpu.memref_slice %arg5[%dma_wait3A_574, %dma_wait3A_575] : memref<100000x128xf32, #tpu.memory_space<hbm>> -> memref<100000x128xf32, #tpu.memory_space<hbm>>
    tpu.wait_indirect_dma semaphore(%arg12 : memref<!tpu.dma_semaphore, #tpu.memory_space<semaphore_mem>>) src(%dma_wait3A_576 : memref<100000x128xf32, #tpu.memory_space<hbm>>) dst(%dma_wait3A_571 : memref<64x128xf32, #tpu.memory_space<vmem>>)
    %add3A_577 = arith.constant 448 : i32
    %add3A_578 = arith.addi %mul3A_2, %add3A_577 : i32
    %dma_start3A_579 = arith.constant 1 : i32
    %dma_start3A_580 = arith.constant 0 : i32
    %dma_start3A_581 = arith.constant 0 : i32
    %dma_start3A_582 = tpu.memref_slice %arg9[%dma_start3A_579, %dma_start3A_580, %dma_start3A_581] : memref<6x64x128xf32, #tpu.memory_space<vmem>> -> memref<1x64x128xf32, #tpu.memory_space<vmem>>
    %dma_start3A_583 = tpu.memref_squeeze %dma_start3A_582 : memref<1x64x128xf32, #tpu.memory_space<vmem>> -> memref<64x128xf32, #tpu.memory_space<vmem>>
    %dma_start3A_584 = arith.constant 0 : i32
    %dma_start3A_585 = tpu.memref_slice %arg6[%add3A_578, %dma_start3A_584] : memref<16384x256xf32, #tpu.memory_space<hbm>> -> memref<64x128xf32, #tpu.memory_space<hbm>>
    %dma_start3A_586 = arith.constant 0 : i32
    %dma_start3A_587 = tpu.memref_slice %arg6[%add3A_578, %dma_start3A_586] : memref<16384x256xf32, #tpu.memory_space<hbm>> -> memref<64x128xf32, #tpu.memory_space<hbm>>
    %dma_start3A_588 = arith.constant 0 : i32
    %dma_start3A_589 = arith.constant 0 : i32
    %dma_start3A_590 = tpu.memref_slice %arg9[%dma_start3A_579, %dma_start3A_588, %dma_start3A_589] : memref<6x64x128xf32, #tpu.memory_space<vmem>> -> memref<1x64x128xf32, #tpu.memory_space<vmem>>
    %dma_start3A_591 = tpu.memref_squeeze %dma_start3A_590 : memref<1x64x128xf32, #tpu.memory_space<vmem>> -> memref<64x128xf32, #tpu.memory_space<vmem>>
    tpu.enqueue_dma source(%dma_start3A_591 : memref<64x128xf32, #tpu.memory_space<vmem>>) target(%dma_start3A_587 : memref<64x128xf32, #tpu.memory_space<hbm>>) target_semaphore(%arg18 : memref<!tpu.dma_semaphore, #tpu.memory_space<semaphore_mem>>)
    %dma_start3A_592 = arith.constant 1 : i32
    %dma_start3A_593 = arith.constant 0 : i32
    %dma_start3A_594 = arith.constant 0 : i32
    %dma_start3A_595 = tpu.memref_slice %arg10[%dma_start3A_592, %dma_start3A_593, %dma_start3A_594] : memref<6x64x128xf32, #tpu.memory_space<vmem>> -> memref<1x64x128xf32, #tpu.memory_space<vmem>>
    %dma_start3A_596 = tpu.memref_squeeze %dma_start3A_595 : memref<1x64x128xf32, #tpu.memory_space<vmem>> -> memref<64x128xf32, #tpu.memory_space<vmem>>
    %dma_start3A_597 = arith.constant 128 : i32
    %dma_start3A_598 = tpu.memref_slice %arg6[%add3A_578, %dma_start3A_597] : memref<16384x256xf32, #tpu.memory_space<hbm>> -> memref<64x128xf32, #tpu.memory_space<hbm>>
    %dma_start3A_599 = arith.constant 128 : i32
    %dma_start3A_600 = tpu.memref_slice %arg6[%add3A_578, %dma_start3A_599] : memref<16384x256xf32, #tpu.memory_space<hbm>> -> memref<64x128xf32, #tpu.memory_space<hbm>>
    %dma_start3A_601 = arith.constant 0 : i32
    %dma_start3A_602 = arith.constant 0 : i32
    %dma_start3A_603 = tpu.memref_slice %arg10[%dma_start3A_592, %dma_start3A_601, %dma_start3A_602] : memref<6x64x128xf32, #tpu.memory_space<vmem>> -> memref<1x64x128xf32, #tpu.memory_space<vmem>>
    %dma_start3A_604 = tpu.memref_squeeze %dma_start3A_603 : memref<1x64x128xf32, #tpu.memory_space<vmem>> -> memref<64x128xf32, #tpu.memory_space<vmem>>
    tpu.enqueue_dma source(%dma_start3A_604 : memref<64x128xf32, #tpu.memory_space<vmem>>) target(%dma_start3A_600 : memref<64x128xf32, #tpu.memory_space<hbm>>) target_semaphore(%arg18 : memref<!tpu.dma_semaphore, #tpu.memory_space<semaphore_mem>>)
    %dma_wait3A_605 = arith.constant 2 : i32
    %dma_wait3A_606 = arith.constant 0 : i32
    %dma_wait3A_607 = arith.constant 0 : i32
    %dma_wait3A_608 = tpu.memref_slice %arg9[%dma_wait3A_605, %dma_wait3A_606, %dma_wait3A_607] : memref<6x64x128xf32, #tpu.memory_space<vmem>> -> memref<1x64x128xf32, #tpu.memory_space<vmem>>
    %dma_wait3A_609 = tpu.memref_squeeze %dma_wait3A_608 : memref<1x64x128xf32, #tpu.memory_space<vmem>> -> memref<64x128xf32, #tpu.memory_space<vmem>>
    %dma_wait3A_610 = arith.constant 0 : i32
    %dma_wait3A_611 = tpu.memref_slice %arg6[%add3A_338, %dma_wait3A_610] : memref<16384x256xf32, #tpu.memory_space<hbm>> -> memref<64x128xf32, #tpu.memory_space<hbm>>
    %dma_wait3A_612 = arith.constant 0 : i32
    %dma_wait3A_613 = tpu.memref_slice %arg6[%add3A_338, %dma_wait3A_612] : memref<16384x256xf32, #tpu.memory_space<hbm>> -> memref<64x128xf32, #tpu.memory_space<hbm>>
    %dma_wait3A_614 = arith.constant 0 : i32
    %dma_wait3A_615 = arith.constant 0 : i32
    %dma_wait3A_616 = tpu.memref_slice %arg9[%dma_wait3A_605, %dma_wait3A_614, %dma_wait3A_615] : memref<6x64x128xf32, #tpu.memory_space<vmem>> -> memref<1x64x128xf32, #tpu.memory_space<vmem>>
    %dma_wait3A_617 = tpu.memref_squeeze %dma_wait3A_616 : memref<1x64x128xf32, #tpu.memory_space<vmem>> -> memref<64x128xf32, #tpu.memory_space<vmem>>
    tpu.wait_dma2 semaphore(%arg19 : memref<!tpu.dma_semaphore, #tpu.memory_space<semaphore_mem>>) src(%dma_wait3A_617 : memref<64x128xf32, #tpu.memory_space<vmem>>) dst(%dma_wait3A_613 : memref<64x128xf32, #tpu.memory_space<hbm>>)
    %dma_wait3A_618 = arith.constant 2 : i32
    %dma_wait3A_619 = arith.constant 0 : i32
    %dma_wait3A_620 = arith.constant 0 : i32
    %dma_wait3A_621 = tpu.memref_slice %arg10[%dma_wait3A_618, %dma_wait3A_619, %dma_wait3A_620] : memref<6x64x128xf32, #tpu.memory_space<vmem>> -> memref<1x64x128xf32, #tpu.memory_space<vmem>>
    %dma_wait3A_622 = tpu.memref_squeeze %dma_wait3A_621 : memref<1x64x128xf32, #tpu.memory_space<vmem>> -> memref<64x128xf32, #tpu.memory_space<vmem>>
    %dma_wait3A_623 = arith.constant 128 : i32
    %dma_wait3A_624 = tpu.memref_slice %arg6[%add3A_338, %dma_wait3A_623] : memref<16384x256xf32, #tpu.memory_space<hbm>> -> memref<64x128xf32, #tpu.memory_space<hbm>>
    %dma_wait3A_625 = arith.constant 128 : i32
    %dma_wait3A_626 = tpu.memref_slice %arg6[%add3A_338, %dma_wait3A_625] : memref<16384x256xf32, #tpu.memory_space<hbm>> -> memref<64x128xf32, #tpu.memory_space<hbm>>
    %dma_wait3A_627 = arith.constant 0 : i32
    %dma_wait3A_628 = arith.constant 0 : i32
    %dma_wait3A_629 = tpu.memref_slice %arg10[%dma_wait3A_618, %dma_wait3A_627, %dma_wait3A_628] : memref<6x64x128xf32, #tpu.memory_space<vmem>> -> memref<1x64x128xf32, #tpu.memory_space<vmem>>
    %dma_wait3A_630 = tpu.memref_squeeze %dma_wait3A_629 : memref<1x64x128xf32, #tpu.memory_space<vmem>> -> memref<64x128xf32, #tpu.memory_space<vmem>>
    tpu.wait_dma2 semaphore(%arg19 : memref<!tpu.dma_semaphore, #tpu.memory_space<semaphore_mem>>) src(%dma_wait3A_630 : memref<64x128xf32, #tpu.memory_space<vmem>>) dst(%dma_wait3A_626 : memref<64x128xf32, #tpu.memory_space<hbm>>)
    %dma_wait3A_631 = arith.constant 3 : i32
    %dma_wait3A_632 = arith.constant 0 : i32
    %dma_wait3A_633 = arith.constant 0 : i32
    %dma_wait3A_634 = tpu.memref_slice %arg9[%dma_wait3A_631, %dma_wait3A_632, %dma_wait3A_633] : memref<6x64x128xf32, #tpu.memory_space<vmem>> -> memref<1x64x128xf32, #tpu.memory_space<vmem>>
    %dma_wait3A_635 = tpu.memref_squeeze %dma_wait3A_634 : memref<1x64x128xf32, #tpu.memory_space<vmem>> -> memref<64x128xf32, #tpu.memory_space<vmem>>
    %dma_wait3A_636 = arith.constant 0 : i32
    %dma_wait3A_637 = tpu.memref_slice %arg6[%add3A_386, %dma_wait3A_636] : memref<16384x256xf32, #tpu.memory_space<hbm>> -> memref<64x128xf32, #tpu.memory_space<hbm>>
    %dma_wait3A_638 = arith.constant 0 : i32
    %dma_wait3A_639 = tpu.memref_slice %arg6[%add3A_386, %dma_wait3A_638] : memref<16384x256xf32, #tpu.memory_space<hbm>> -> memref<64x128xf32, #tpu.memory_space<hbm>>
    %dma_wait3A_640 = arith.constant 0 : i32
    %dma_wait3A_641 = arith.constant 0 : i32
    %dma_wait3A_642 = tpu.memref_slice %arg9[%dma_wait3A_631, %dma_wait3A_640, %dma_wait3A_641] : memref<6x64x128xf32, #tpu.memory_space<vmem>> -> memref<1x64x128xf32, #tpu.memory_space<vmem>>
    %dma_wait3A_643 = tpu.memref_squeeze %dma_wait3A_642 : memref<1x64x128xf32, #tpu.memory_space<vmem>> -> memref<64x128xf32, #tpu.memory_space<vmem>>
    tpu.wait_dma2 semaphore(%arg20 : memref<!tpu.dma_semaphore, #tpu.memory_space<semaphore_mem>>) src(%dma_wait3A_643 : memref<64x128xf32, #tpu.memory_space<vmem>>) dst(%dma_wait3A_639 : memref<64x128xf32, #tpu.memory_space<hbm>>)
    %dma_wait3A_644 = arith.constant 3 : i32
    %dma_wait3A_645 = arith.constant 0 : i32
    %dma_wait3A_646 = arith.constant 0 : i32
    %dma_wait3A_647 = tpu.memref_slice %arg10[%dma_wait3A_644, %dma_wait3A_645, %dma_wait3A_646] : memref<6x64x128xf32, #tpu.memory_space<vmem>> -> memref<1x64x128xf32, #tpu.memory_space<vmem>>
    %dma_wait3A_648 = tpu.memref_squeeze %dma_wait3A_647 : memref<1x64x128xf32, #tpu.memory_space<vmem>> -> memref<64x128xf32, #tpu.memory_space<vmem>>
    %dma_wait3A_649 = arith.constant 128 : i32
    %dma_wait3A_650 = tpu.memref_slice %arg6[%add3A_386, %dma_wait3A_649] : memref<16384x256xf32, #tpu.memory_space<hbm>> -> memref<64x128xf32, #tpu.memory_space<hbm>>
    %dma_wait3A_651 = arith.constant 128 : i32
    %dma_wait3A_652 = tpu.memref_slice %arg6[%add3A_386, %dma_wait3A_651] : memref<16384x256xf32, #tpu.memory_space<hbm>> -> memref<64x128xf32, #tpu.memory_space<hbm>>
    %dma_wait3A_653 = arith.constant 0 : i32
    %dma_wait3A_654 = arith.constant 0 : i32
    %dma_wait3A_655 = tpu.memref_slice %arg10[%dma_wait3A_644, %dma_wait3A_653, %dma_wait3A_654] : memref<6x64x128xf32, #tpu.memory_space<vmem>> -> memref<1x64x128xf32, #tpu.memory_space<vmem>>
    %dma_wait3A_656 = tpu.memref_squeeze %dma_wait3A_655 : memref<1x64x128xf32, #tpu.memory_space<vmem>> -> memref<64x128xf32, #tpu.memory_space<vmem>>
    tpu.wait_dma2 semaphore(%arg20 : memref<!tpu.dma_semaphore, #tpu.memory_space<semaphore_mem>>) src(%dma_wait3A_656 : memref<64x128xf32, #tpu.memory_space<vmem>>) dst(%dma_wait3A_652 : memref<64x128xf32, #tpu.memory_space<hbm>>)
    %dma_wait3A_657 = arith.constant 4 : i32
    %dma_wait3A_658 = arith.constant 0 : i32
    %dma_wait3A_659 = arith.constant 0 : i32
    %dma_wait3A_660 = tpu.memref_slice %arg9[%dma_wait3A_657, %dma_wait3A_658, %dma_wait3A_659] : memref<6x64x128xf32, #tpu.memory_space<vmem>> -> memref<1x64x128xf32, #tpu.memory_space<vmem>>
    %dma_wait3A_661 = tpu.memref_squeeze %dma_wait3A_660 : memref<1x64x128xf32, #tpu.memory_space<vmem>> -> memref<64x128xf32, #tpu.memory_space<vmem>>
    %dma_wait3A_662 = arith.constant 0 : i32
    %dma_wait3A_663 = tpu.memref_slice %arg6[%add3A_434, %dma_wait3A_662] : memref<16384x256xf32, #tpu.memory_space<hbm>> -> memref<64x128xf32, #tpu.memory_space<hbm>>
    %dma_wait3A_664 = arith.constant 0 : i32
    %dma_wait3A_665 = tpu.memref_slice %arg6[%add3A_434, %dma_wait3A_664] : memref<16384x256xf32, #tpu.memory_space<hbm>> -> memref<64x128xf32, #tpu.memory_space<hbm>>
    %dma_wait3A_666 = arith.constant 0 : i32
    %dma_wait3A_667 = arith.constant 0 : i32
    %dma_wait3A_668 = tpu.memref_slice %arg9[%dma_wait3A_657, %dma_wait3A_666, %dma_wait3A_667] : memref<6x64x128xf32, #tpu.memory_space<vmem>> -> memref<1x64x128xf32, #tpu.memory_space<vmem>>
    %dma_wait3A_669 = tpu.memref_squeeze %dma_wait3A_668 : memref<1x64x128xf32, #tpu.memory_space<vmem>> -> memref<64x128xf32, #tpu.memory_space<vmem>>
    tpu.wait_dma2 semaphore(%arg21 : memref<!tpu.dma_semaphore, #tpu.memory_space<semaphore_mem>>) src(%dma_wait3A_669 : memref<64x128xf32, #tpu.memory_space<vmem>>) dst(%dma_wait3A_665 : memref<64x128xf32, #tpu.memory_space<hbm>>)
    %dma_wait3A_670 = arith.constant 4 : i32
    %dma_wait3A_671 = arith.constant 0 : i32
    %dma_wait3A_672 = arith.constant 0 : i32
    %dma_wait3A_673 = tpu.memref_slice %arg10[%dma_wait3A_670, %dma_wait3A_671, %dma_wait3A_672] : memref<6x64x128xf32, #tpu.memory_space<vmem>> -> memref<1x64x128xf32, #tpu.memory_space<vmem>>
    %dma_wait3A_674 = tpu.memref_squeeze %dma_wait3A_673 : memref<1x64x128xf32, #tpu.memory_space<vmem>> -> memref<64x128xf32, #tpu.memory_space<vmem>>
    %dma_wait3A_675 = arith.constant 128 : i32
    %dma_wait3A_676 = tpu.memref_slice %arg6[%add3A_434, %dma_wait3A_675] : memref<16384x256xf32, #tpu.memory_space<hbm>> -> memref<64x128xf32, #tpu.memory_space<hbm>>
    %dma_wait3A_677 = arith.constant 128 : i32
    %dma_wait3A_678 = tpu.memref_slice %arg6[%add3A_434, %dma_wait3A_677] : memref<16384x256xf32, #tpu.memory_space<hbm>> -> memref<64x128xf32, #tpu.memory_space<hbm>>
    %dma_wait3A_679 = arith.constant 0 : i32
    %dma_wait3A_680 = arith.constant 0 : i32
    %dma_wait3A_681 = tpu.memref_slice %arg10[%dma_wait3A_670, %dma_wait3A_679, %dma_wait3A_680] : memref<6x64x128xf32, #tpu.memory_space<vmem>> -> memref<1x64x128xf32, #tpu.memory_space<vmem>>
    %dma_wait3A_682 = tpu.memref_squeeze %dma_wait3A_681 : memref<1x64x128xf32, #tpu.memory_space<vmem>> -> memref<64x128xf32, #tpu.memory_space<vmem>>
    tpu.wait_dma2 semaphore(%arg21 : memref<!tpu.dma_semaphore, #tpu.memory_space<semaphore_mem>>) src(%dma_wait3A_682 : memref<64x128xf32, #tpu.memory_space<vmem>>) dst(%dma_wait3A_678 : memref<64x128xf32, #tpu.memory_space<hbm>>)
    %dma_wait3A_683 = arith.constant 5 : i32
    %dma_wait3A_684 = arith.constant 0 : i32
    %dma_wait3A_685 = arith.constant 0 : i32
    %dma_wait3A_686 = tpu.memref_slice %arg9[%dma_wait3A_683, %dma_wait3A_684, %dma_wait3A_685] : memref<6x64x128xf32, #tpu.memory_space<vmem>> -> memref<1x64x128xf32, #tpu.memory_space<vmem>>
    %dma_wait3A_687 = tpu.memref_squeeze %dma_wait3A_686 : memref<1x64x128xf32, #tpu.memory_space<vmem>> -> memref<64x128xf32, #tpu.memory_space<vmem>>
    %dma_wait3A_688 = arith.constant 0 : i32
    %dma_wait3A_689 = tpu.memref_slice %arg6[%add3A_482, %dma_wait3A_688] : memref<16384x256xf32, #tpu.memory_space<hbm>> -> memref<64x128xf32, #tpu.memory_space<hbm>>
    %dma_wait3A_690 = arith.constant 0 : i32
    %dma_wait3A_691 = tpu.memref_slice %arg6[%add3A_482, %dma_wait3A_690] : memref<16384x256xf32, #tpu.memory_space<hbm>> -> memref<64x128xf32, #tpu.memory_space<hbm>>
    %dma_wait3A_692 = arith.constant 0 : i32
    %dma_wait3A_693 = arith.constant 0 : i32
    %dma_wait3A_694 = tpu.memref_slice %arg9[%dma_wait3A_683, %dma_wait3A_692, %dma_wait3A_693] : memref<6x64x128xf32, #tpu.memory_space<vmem>> -> memref<1x64x128xf32, #tpu.memory_space<vmem>>
    %dma_wait3A_695 = tpu.memref_squeeze %dma_wait3A_694 : memref<1x64x128xf32, #tpu.memory_space<vmem>> -> memref<64x128xf32, #tpu.memory_space<vmem>>
    tpu.wait_dma2 semaphore(%arg22 : memref<!tpu.dma_semaphore, #tpu.memory_space<semaphore_mem>>) src(%dma_wait3A_695 : memref<64x128xf32, #tpu.memory_space<vmem>>) dst(%dma_wait3A_691 : memref<64x128xf32, #tpu.memory_space<hbm>>)
    %dma_wait3A_696 = arith.constant 5 : i32
    %dma_wait3A_697 = arith.constant 0 : i32
    %dma_wait3A_698 = arith.constant 0 : i32
    %dma_wait3A_699 = tpu.memref_slice %arg10[%dma_wait3A_696, %dma_wait3A_697, %dma_wait3A_698] : memref<6x64x128xf32, #tpu.memory_space<vmem>> -> memref<1x64x128xf32, #tpu.memory_space<vmem>>
    %dma_wait3A_700 = tpu.memref_squeeze %dma_wait3A_699 : memref<1x64x128xf32, #tpu.memory_space<vmem>> -> memref<64x128xf32, #tpu.memory_space<vmem>>
    %dma_wait3A_701 = arith.constant 128 : i32
    %dma_wait3A_702 = tpu.memref_slice %arg6[%add3A_482, %dma_wait3A_701] : memref<16384x256xf32, #tpu.memory_space<hbm>> -> memref<64x128xf32, #tpu.memory_space<hbm>>
    %dma_wait3A_703 = arith.constant 128 : i32
    %dma_wait3A_704 = tpu.memref_slice %arg6[%add3A_482, %dma_wait3A_703] : memref<16384x256xf32, #tpu.memory_space<hbm>> -> memref<64x128xf32, #tpu.memory_space<hbm>>
    %dma_wait3A_705 = arith.constant 0 : i32
    %dma_wait3A_706 = arith.constant 0 : i32
    %dma_wait3A_707 = tpu.memref_slice %arg10[%dma_wait3A_696, %dma_wait3A_705, %dma_wait3A_706] : memref<6x64x128xf32, #tpu.memory_space<vmem>> -> memref<1x64x128xf32, #tpu.memory_space<vmem>>
    %dma_wait3A_708 = tpu.memref_squeeze %dma_wait3A_707 : memref<1x64x128xf32, #tpu.memory_space<vmem>> -> memref<64x128xf32, #tpu.memory_space<vmem>>
    tpu.wait_dma2 semaphore(%arg22 : memref<!tpu.dma_semaphore, #tpu.memory_space<semaphore_mem>>) src(%dma_wait3A_708 : memref<64x128xf32, #tpu.memory_space<vmem>>) dst(%dma_wait3A_704 : memref<64x128xf32, #tpu.memory_space<hbm>>)
    %dma_wait3A_709 = arith.constant 0 : i32
    %dma_wait3A_710 = arith.constant 0 : i32
    %dma_wait3A_711 = arith.constant 0 : i32
    %dma_wait3A_712 = tpu.memref_slice %arg9[%dma_wait3A_709, %dma_wait3A_710, %dma_wait3A_711] : memref<6x64x128xf32, #tpu.memory_space<vmem>> -> memref<1x64x128xf32, #tpu.memory_space<vmem>>
    %dma_wait3A_713 = tpu.memref_squeeze %dma_wait3A_712 : memref<1x64x128xf32, #tpu.memory_space<vmem>> -> memref<64x128xf32, #tpu.memory_space<vmem>>
    %dma_wait3A_714 = arith.constant 0 : i32
    %dma_wait3A_715 = tpu.memref_slice %arg6[%add3A_530, %dma_wait3A_714] : memref<16384x256xf32, #tpu.memory_space<hbm>> -> memref<64x128xf32, #tpu.memory_space<hbm>>
    %dma_wait3A_716 = arith.constant 0 : i32
    %dma_wait3A_717 = tpu.memref_slice %arg6[%add3A_530, %dma_wait3A_716] : memref<16384x256xf32, #tpu.memory_space<hbm>> -> memref<64x128xf32, #tpu.memory_space<hbm>>
    %dma_wait3A_718 = arith.constant 0 : i32
    %dma_wait3A_719 = arith.constant 0 : i32
    %dma_wait3A_720 = tpu.memref_slice %arg9[%dma_wait3A_709, %dma_wait3A_718, %dma_wait3A_719] : memref<6x64x128xf32, #tpu.memory_space<vmem>> -> memref<1x64x128xf32, #tpu.memory_space<vmem>>
    %dma_wait3A_721 = tpu.memref_squeeze %dma_wait3A_720 : memref<1x64x128xf32, #tpu.memory_space<vmem>> -> memref<64x128xf32, #tpu.memory_space<vmem>>
    tpu.wait_dma2 semaphore(%arg17 : memref<!tpu.dma_semaphore, #tpu.memory_space<semaphore_mem>>) src(%dma_wait3A_721 : memref<64x128xf32, #tpu.memory_space<vmem>>) dst(%dma_wait3A_717 : memref<64x128xf32, #tpu.memory_space<hbm>>)
    %dma_wait3A_722 = arith.constant 0 : i32
    %dma_wait3A_723 = arith.constant 0 : i32
    %dma_wait3A_724 = arith.constant 0 : i32
    %dma_wait3A_725 = tpu.memref_slice %arg10[%dma_wait3A_722, %dma_wait3A_723, %dma_wait3A_724] : memref<6x64x128xf32, #tpu.memory_space<vmem>> -> memref<1x64x128xf32, #tpu.memory_space<vmem>>
    %dma_wait3A_726 = tpu.memref_squeeze %dma_wait3A_725 : memref<1x64x128xf32, #tpu.memory_space<vmem>> -> memref<64x128xf32, #tpu.memory_space<vmem>>
    %dma_wait3A_727 = arith.constant 128 : i32
    %dma_wait3A_728 = tpu.memref_slice %arg6[%add3A_530, %dma_wait3A_727] : memref<16384x256xf32, #tpu.memory_space<hbm>> -> memref<64x128xf32, #tpu.memory_space<hbm>>
    %dma_wait3A_729 = arith.constant 128 : i32
    %dma_wait3A_730 = tpu.memref_slice %arg6[%add3A_530, %dma_wait3A_729] : memref<16384x256xf32, #tpu.memory_space<hbm>> -> memref<64x128xf32, #tpu.memory_space<hbm>>
    %dma_wait3A_731 = arith.constant 0 : i32
    %dma_wait3A_732 = arith.constant 0 : i32
    %dma_wait3A_733 = tpu.memref_slice %arg10[%dma_wait3A_722, %dma_wait3A_731, %dma_wait3A_732] : memref<6x64x128xf32, #tpu.memory_space<vmem>> -> memref<1x64x128xf32, #tpu.memory_space<vmem>>
    %dma_wait3A_734 = tpu.memref_squeeze %dma_wait3A_733 : memref<1x64x128xf32, #tpu.memory_space<vmem>> -> memref<64x128xf32, #tpu.memory_space<vmem>>
    tpu.wait_dma2 semaphore(%arg17 : memref<!tpu.dma_semaphore, #tpu.memory_space<semaphore_mem>>) src(%dma_wait3A_734 : memref<64x128xf32, #tpu.memory_space<vmem>>) dst(%dma_wait3A_730 : memref<64x128xf32, #tpu.memory_space<hbm>>)
    %dma_wait3A_735 = arith.constant 1 : i32
    %dma_wait3A_736 = arith.constant 0 : i32
    %dma_wait3A_737 = arith.constant 0 : i32
    %dma_wait3A_738 = tpu.memref_slice %arg9[%dma_wait3A_735, %dma_wait3A_736, %dma_wait3A_737] : memref<6x64x128xf32, #tpu.memory_space<vmem>> -> memref<1x64x128xf32, #tpu.memory_space<vmem>>
    %dma_wait3A_739 = tpu.memref_squeeze %dma_wait3A_738 : memref<1x64x128xf32, #tpu.memory_space<vmem>> -> memref<64x128xf32, #tpu.memory_space<vmem>>
    %dma_wait3A_740 = arith.constant 0 : i32
    %dma_wait3A_741 = tpu.memref_slice %arg6[%add3A_578, %dma_wait3A_740] : memref<16384x256xf32, #tpu.memory_space<hbm>> -> memref<64x128xf32, #tpu.memory_space<hbm>>
    %dma_wait3A_742 = arith.constant 0 : i32
    %dma_wait3A_743 = tpu.memref_slice %arg6[%add3A_578, %dma_wait3A_742] : memref<16384x256xf32, #tpu.memory_space<hbm>> -> memref<64x128xf32, #tpu.memory_space<hbm>>
    %dma_wait3A_744 = arith.constant 0 : i32
    %dma_wait3A_745 = arith.constant 0 : i32
    %dma_wait3A_746 = tpu.memref_slice %arg9[%dma_wait3A_735, %dma_wait3A_744, %dma_wait3A_745] : memref<6x64x128xf32, #tpu.memory_space<vmem>> -> memref<1x64x128xf32, #tpu.memory_space<vmem>>
    %dma_wait3A_747 = tpu.memref_squeeze %dma_wait3A_746 : memref<1x64x128xf32, #tpu.memory_space<vmem>> -> memref<64x128xf32, #tpu.memory_space<vmem>>
    tpu.wait_dma2 semaphore(%arg18 : memref<!tpu.dma_semaphore, #tpu.memory_space<semaphore_mem>>) src(%dma_wait3A_747 : memref<64x128xf32, #tpu.memory_space<vmem>>) dst(%dma_wait3A_743 : memref<64x128xf32, #tpu.memory_space<hbm>>)
    %dma_wait3A_748 = arith.constant 1 : i32
    %dma_wait3A_749 = arith.constant 0 : i32
    %dma_wait3A_750 = arith.constant 0 : i32
    %dma_wait3A_751 = tpu.memref_slice %arg10[%dma_wait3A_748, %dma_wait3A_749, %dma_wait3A_750] : memref<6x64x128xf32, #tpu.memory_space<vmem>> -> memref<1x64x128xf32, #tpu.memory_space<vmem>>
    %dma_wait3A_752 = tpu.memref_squeeze %dma_wait3A_751 : memref<1x64x128xf32, #tpu.memory_space<vmem>> -> memref<64x128xf32, #tpu.memory_space<vmem>>
    %dma_wait3A_753 = arith.constant 128 : i32
    %dma_wait3A_754 = tpu.memref_slice %arg6[%add3A_578, %dma_wait3A_753] : memref<16384x256xf32, #tpu.memory_space<hbm>> -> memref<64x128xf32, #tpu.memory_space<hbm>>
    %dma_wait3A_755 = arith.constant 128 : i32
    %dma_wait3A_756 = tpu.memref_slice %arg6[%add3A_578, %dma_wait3A_755] : memref<16384x256xf32, #tpu.memory_space<hbm>> -> memref<64x128xf32, #tpu.memory_space<hbm>>
    %dma_wait3A_757 = arith.constant 0 : i32
    %dma_wait3A_758 = arith.constant 0 : i32
    %dma_wait3A_759 = tpu.memref_slice %arg10[%dma_wait3A_748, %dma_wait3A_757, %dma_wait3A_758] : memref<6x64x128xf32, #tpu.memory_space<vmem>> -> memref<1x64x128xf32, #tpu.memory_space<vmem>>
    %dma_wait3A_760 = tpu.memref_squeeze %dma_wait3A_759 : memref<1x64x128xf32, #tpu.memory_space<vmem>> -> memref<64x128xf32, #tpu.memory_space<vmem>>
    tpu.wait_dma2 semaphore(%arg18 : memref<!tpu.dma_semaphore, #tpu.memory_space<semaphore_mem>>) src(%dma_wait3A_760 : memref<64x128xf32, #tpu.memory_space<vmem>>) dst(%dma_wait3A_756 : memref<64x128xf32, #tpu.memory_space<hbm>>)
    return
  }
}

</mosaic_0001>

<sc_bundles>
// kernel: kernel.3.cloned.1.call-start
scs
__scs_entry_jumppad:
0x0: {  	(pc) =	sbr.rel $0x88, $3  }
0x1: {  	(tag) =	ssettag $0x0;
	lr =	simm.s32 $0x1  }
0x2: {  	[smem:$0x3F9D] =	sst lr;
	_ =	strace $0xD0000000  }
0x3: {  	_ = 	snop  }
0x4: {  	_ = 	snop  }
0x5: {  	_ = 	snop  }
0x6: {  	_ = 	snop  }
0x7: {  	_ = 	snop  }
__scs_overlays_trampoline_lowered:
0x8: {  	[smem:$0x3FAC] =	sst s0  }
0x9: {  	[smem:$0x3FAD] =	sst s1  }
0xa: {  	[smem:$0x3FAE] =	sst s2  }
0xb: {  	[smem:$0x3FAF] =	sst s3  }
0xc: {  	[smem:$0x3FB0] =	sst s4  }
0xd: {  	[smem:$0x3FB1] =	sst s5  }
0xe: {  	[smem:$0x3FB2] =	sst s6  }
0xf: {  	[smem:$0x3FB3] =	sst s7  }
0x10: {  	[smem:$0x3FB4] =	sst s8  }
0x11: {  	[smem:$0x3FB5] =	sst s9;
	s0 =	simm.s32 @!p0 $0x0  }
0x12: {  	s1 =	sld [smem:$0x3F9B];
	s0 =	simm.s32 @p0 $0x1  }
0x13: {  	[smem:$0x3FB6] =	sst s0;
	s0 =	simm.s32 @!p1 $0x0  }
0x14: {  	s2 =	sld [smem:$0x3F9A];
	s0 =	simm.s32 @p1 $0x1  }
0x15: {  	[smem:$0x3FB7] =	sst s0;
	s0 =	simm.s32 @!p2 $0x0  }
0x16: {  	s3 =	sld [smem:$0x3FDB];
	s0 =	simm.s32 @p2 $0x1  }
0x17: {  	s4 =	simm.s32 $0x1BF5;
	[smem:$0x3FB9] =	sst s0  }
0x18: {  	s0 =	sld [smem:$0x3F9C];
	_ =	swait.ge [sflag:s4], $0x0  }
0x19: {  	s7 =	sld [smem:$0x3F9D]  }
0x1a: {  	s8 =	sadd.s32 $0xFFFFE003, lr  }
0x1b: {  	s9 =	sadd.s32 $0xFFFFFEF7, lr;
	s5 =	simm.s32 $0xFFFFFFFF;
	p2 =	slt.u32 s8, $0xFFFFF086  }
0x1c: {  	p1 =	slt.u32 s9, $0xF7A;
	s5 =	simm.s32 @!p2 $0x0  }
0x1d: {  	s5 =	simm.s32 @p1 $0x1;
	p0 =	seq.s32 s7, s2  }
0x1e: {  	s7 =	smul.u32 @!p0 $0xF7A, s2;
	p2 =	seq.s32 @!p0 s5, $0x0  }
0x1f: {  	s9 =	smul.u32 $0xF7A, s1;
	s8 =	simm.s32 @!p0 $0x1BF5;
	p2 =	por !p2, p0  }
0x20: {  	[sflag:s8] =	ssyncset.s32 @!p0 $0xFFFFF086;
	s6 =	sadd.s32 @!p0 s3, s7;
	s7 =	simm.s32 @!p0 $0x108  }
0x21: {  	s3 =	sadd.s32 s3, s9;
	s6 =	sadd.s32 @!p0 $0x88, s6;
	s7 =	simm.s32 @p2 $0x1082  }
0x22: {  	[simem:s7], [sflag:s8] =	dma.local @!p0 [hbm:s6], $0xF7A  }
0x23: {  	s9 =	sor.u32 $0xD0000000, s2;
	s6 =	simm.s32 $0x108;
	_ =	swait.ge @!p0 [sflag:s8], $0x0  }
0x24: {  	s3 =	sadd.s32 $0x88, s3;
	s6 =	simm.s32 @!p1 $0x1082;
	[sflag:s4] =	ssyncset.s32 $0xFFFFF086  }
0x25: {  	[simem:s6], [sflag:s4] =	dma.local [hbm:s3], $0xF7A  }
0x26: {  	[smem:$0x3F9D] =	sst s1;
	(tag) =	ssettag s2;
	_ =	strace s9  }
0x27: {  	s1 =	sld [smem:$0x3FAD]  }
0x28: {  	s2 =	sld [smem:$0x3FAE]  }
0x29: {  	s4 =	sld [smem:$0x3FB0]  }
0x2a: {  	p0 =	seq.s32 s5, $0x0;
	s5 =	sld [smem:$0x3FB1]  }
0x2b: {  	s6 =	sld [smem:$0x3FB2]  }
0x2c: {  	s7 =	sld [smem:$0x3FB3]  }
0x2d: {  	s3 =	simm.s32 $0x108;
	s8 =	sld [smem:$0x3FB4]  }
0x2e: {  	s3 =	simm.s32 @!p0 $0x1082;
	s9 =	sld [smem:$0x3FB5]  }
0x2f: {  	lr =	sadd.s32 s0, s3;
	s0 =	sld [smem:$0x3FAC]  }
0x30: {  	s3 =	sld [smem:$0x3FAF]  }
0x31: {  	[smem:$0x3FB8] =	sst s10  }
0x32: {  	s10 =	sld [smem:$0x3FB6];
	_ =	sdelay $0x3  }
0x33: {  	p0 =	seq.s32 s10, $0x1;
	s10 =	sld [smem:$0x3FB8];
	_ =	sdelay $0x3  }
0x34: {  	[smem:$0x3FB8] =	sst s10  }
0x35: {  	s10 =	sld [smem:$0x3FB7];
	_ =	sdelay $0x3  }
0x36: {  	p1 =	seq.s32 s10, $0x1;
	s10 =	sld [smem:$0x3FB8];
	_ =	sdelay $0x3  }
0x37: {  	[smem:$0x3FB8] =	sst s10  }
0x38: {  	s10 =	sld [smem:$0x3FB9]  }
0x39: {  	_ = 	snop;
	(pc) =	sbr.ind lr, $3  }
0x3a: {  	_ = 	snop  }
0x3b: {  	_ = 	snop  }
0x3c: {  	p2 =	seq.s32 s10, $0x1;
	s10 =	sld [smem:$0x3FB8]  }
0x3d: {  	_ =	shalt  }
0x3e: {  	_ =	shalt  }
0x3f: {  	_ =	shalt  }
0x40: {  	_ =	shalt  }
0x41: {  	_ =	shalt  }
0x42: {  	_ =	shalt  }
0x43: {  	_ =	shalt  }
0x44: {  	_ =	shalt  }
0x45: {  	_ =	shalt  }
0x46: {  	_ =	shalt  }
0x47: {  	_ =	shalt  }
0x48: {  	_ =	shalt  }
0x49: {  	_ =	shalt  }
0x4a: {  	_ =	shalt  }
0x4b: {  	_ =	shalt  }
0x4c: {  	_ =	shalt  }
0x4d: {  	_ =	shalt  }
0x4e: {  	_ =	shalt  }
0x4f: {  	_ =	shalt  }
0x50: {  	_ =	shalt  }
0x51: {  	_ =	shalt  }
0x52: {  	_ =	shalt  }
0x53: {  	_ =	shalt  }
0x54: {  	_ =	shalt  }
0x55: {  	_ =	shalt  }
0x56: {  	_ =	shalt  }
0x57: {  	_ =	shalt  }
0x58: {  	_ =	shalt  }
0x59: {  	_ =	shalt  }
0x5a: {  	_ =	shalt  }
0x5b: {  	_ =	shalt  }
0x5c: {  	_ =	shalt  }
0x5d: {  	_ =	shalt  }
0x5e: {  	_ =	shalt  }
0x5f: {  	_ =	shalt  }
0x60: {  	_ =	shalt  }
0x61: {  	_ =	shalt  }
0x62: {  	_ =	shalt  }
0x63: {  	_ =	shalt  }
0x64: {  	_ =	shalt  }
0x65: {  	_ =	shalt  }
0x66: {  	_ =	shalt  }
0x67: {  	_ =	shalt  }
0x68: {  	_ =	shalt  }
0x69: {  	_ =	shalt  }
0x6a: {  	_ =	shalt  }
0x6b: {  	_ =	shalt  }
0x6c: {  	_ =	shalt  }
0x6d: {  	_ =	shalt  }
0x6e: {  	_ =	shalt  }
0x6f: {  	_ =	shalt  }
0x70: {  	_ =	shalt  }
0x71: {  	_ =	shalt  }
0x72: {  	_ =	shalt  }
0x73: {  	_ =	shalt  }
0x74: {  	_ =	shalt  }
0x75: {  	_ =	shalt  }
0x76: {  	_ =	shalt  }
0x77: {  	_ =	shalt  }
0x78: {  	_ =	shalt  }
0x79: {  	_ =	shalt  }
0x7a: {  	_ =	shalt  }
0x7b: {  	_ =	shalt  }
0x7c: {  	_ =	shalt  }
0x7d: {  	_ =	shalt  }
0x7e: {  	_ =	shalt  }
0x7f: {  	_ =	shalt  }
0x80: {  	_ =	shalt  }
0x81: {  	_ =	shalt  }
0x82: {  	_ =	shalt  }
0x83: {  	_ =	shalt  }
0x84: {  	_ =	shalt  }
0x85: {  	_ =	shalt  }
0x86: {  	_ =	shalt  }
0x87: {  	_ =	shalt  }
.Lfunc_end0:
.L_simem_size_0:
called_computation_lowered:
.L_overlay_start_0:
0x88: {  	s2 =	sld [smem:$0x3FD9]  }
0x89: {  	s3 =	sld [smem:$0x3FFE];
	_ =	sdelay $0x1  }
0x8a: {  	s1 =	srdreg.scid  }
0x8b: {  	s0 =	sand.u32 $0x1, s1  }
0x8c: {  	s18 =	sshll.u32 s0, $0xA;
	s2 =	sadd.s32 s3, s2  }
0x8d: {  	s2 =	sadd.s32 s2, s18  }
0x8e: {  	[smem:$0x3FC4] =	sst s2  }
0x8f: {  	_ = 	snop  }
0x90: {  	s2 =	sld [smem:$0x3FC9]  }
0x91: {  	s19 =	sld [smem:$0x3FC8]  }
0x92: {  	s4 =	sld [smem:$0x3FC7]  }
0x93: {  	s5 =	sld [smem:$0x3FC6]  }
0x94: {  	s6 =	sld [smem:$0x3FD0];
	(tm) =	ssettm $0x1  }
0x95: {  	s7 =	sld [smem:$0x3FFB];
	_ =	sdelay $0x3  }
0x96: {  	_ =	strace s7  }
0x97: {  	s7 =	sld [smem:$0x3FFC];
	_ =	sdelay $0x3  }
0x98: {  	_ =	strace s7  }
0x99: {  	s7 =	sld [smem:$0x3FFD];
	_ =	sdelay $0x3  }
0x9a: {  	_ =	strace s7  }
0x9b: {  	_ =	strace $0x8FFFFFFF  }
0x9c: {  	s20 =	sld [smem:$0x3FDB];
	_ =	sdelay $0x1  }
0x9d: {  	s8 =	simm.s32 $_scs_section_size  }
0x9e: {  	s9 =	simm.s32 $_size__tile_overlayer_lowered;
	s10 =	simm.s32 $_tile_overlayer_lowered  }
0x9f: {  	s23 =	simm.s32 $0x1BFF;
	s22 =	sshll.u32 s10, $0x1;
	s7 =	sadd.s32 s8, s20  }
0xa0: {  	s11 =	simm.s32 $0x0;
	s21 =	sshll.u32 s9, $0x1;
	s9 =	sadd.s32 s22, s7  }
0xa1: {  	[timem:s11], [sflag:s23] =	dma.local [hbm:s9], s21  }
0xa2: {  	_ =	swait.ge [sflag:s23], s21  }
0xa3: {  	s8 =	ssub.s32 $0x0, s21;
	[sflag:s23] =	ssyncset.done $0x0  }
0xa4: {  	[sflag:s23] =	ssyncadd.s32 s8;
	_ =	sdelay $0x1  }
0xa5: {  	s24 =	simm.s32 $0x1B8B  }
0xa6: {  	_ =	swait.ge [sflag:s24], $0x1  }
0xa7: {  	[sflag:s24] =	ssyncset.done $0x0  }
0xa8: {  	s25 =	simm.s32 $0x1B8E;
	[sflag:s24] =	ssyncadd.s32 $0xFFFFFFFF  }
0xa9: {  	s26 =	simm.s32 $execute0_lowered;
	[smem:$0x3FD2] =	sst s25  }
0xaa: {  	s8 =	sshll.u32 s26, $0x1;
	_ =	strace $0x80000046;
	[dreg:$0x1] =	wrdreg $0xFFFFFFFF  }
0xab: {  	s28 =	simm.s32 $_size_execute0_lowered;
	s7 =	sadd.s32 s7, s8;
	[dreg:$0x0] =	wrdreg $0x0  }
0xac: {  	s8 =	sshll.u32 s28, $0x1;
	[dreg:$0x2] =	wrdreg s7  }
0xad: {  	[dreg:$0x3] =	wrdreg s8  }
0xae: {  	[dreg:$0x4] =	wrdreg $0xC0  }
0xaf: {  	_ =	task [dreg:s11], $0x5FFFF  }
0xb0: {  	[dreg:$0x1] =	wrdreg $0xFFFFFFFF  }
0xb1: {  	[dreg:$0x0] =	wrdreg $0x60  }
0xb2: {  	[dreg:$0x2] =	wrdreg s2  }
0xb3: {  	[dreg:$0x3] =	wrdreg s19  }
0xb4: {  	[dreg:$0x4] =	wrdreg s4  }
0xb5: {  	[dreg:$0x5] =	wrdreg s5  }
0xb6: {  	[dreg:$0x6] =	wrdreg s6  }
0xb7: {  	[dreg:$0x7] =	wrdreg $0x9  }
0xb8: {  	_ =	task.clear_ibuf [dreg:s11], $0x8FFFF;
	_ =	strace $0x90000046  }
0xb9: {  	s29 =	simm.s32 $0x9;
	_ =	strace $0x80000048  }
0xba: {  	_ =	swait.ge [sflag:s29], $0x1  }
0xbb: {  	[sflag:s29] =	ssyncadd.s32 $0xFFFFFFFF  }
0xbc: {  	_ =	strace $0x90000048  }
0xbd: {  	_ =	sfence  }
0xbe: {  	s30 =	sld [smem:$0x0];
	_ =	sdelay $0x2  }
0xbf: {  	s31 =	sshll.u32 s1, $0xD;
	s1 =	sshrl.u32 s1, $0x2  }
0xc0: {  	s3 =	sand.u32 $0x4000, s31;
	s1 =	sadd.s32 s1, s30  }
0xc1: {  	s0 =	sor.u32 s3, s0;
	s1 =	sshll.u32 s1, $0x11  }
0xc2: {  	s0 =	sor.u32 s1, s0  }
0xc3: {  	s0 =	sadd.s32 $0x8F2B, s0  }
0xc4: {  	[sflag:s0] =	ssyncadd.remote.s32 $0x1  }
0xc5: {  	_ =	sfence.sel $0xFFFF  }
0xc6: {  	[dreg:$0x0] =	wrdreg $0xFFFFFFFF;
	(pc) =	sbr.abs _section_cstart, $3  }
0xc7: {  	[dreg:$0x1] =	wrdreg $0xFFFFFFFF  }
0xc8: {  	_ =	task.clear_ibuf [dreg:s11], $0x2FFFF;
	_ =	strace $0x9FFFFFFF  }
0xc9: {  	(tm) =	ssettm $0x7FFFFFFF  }
tec
execute0_lowered:
.L_overlay_start_1:
0x0: {  	(tag) =	ssettag $0x1  }
0x1: {  	s0 =	rddreg [dreg:$0x0]  }
0x2: {  	s1 =	rddreg [dreg:$0x1]  }
0x3: {  	s4 =	rddreg [dreg:$0x2];
	s2 =	srdreg.scid  }
0x4: {  	s5 =	rddreg [dreg:$0x3];
	s7 =	stileid.u32  }
0x5: {  	s3 =	rddreg [dreg:$0x4];
	s28 =	simm.s32 $0x0;
	s12 =	simm.s32 $0x240  }
0x6: {  	s13 =	simm.s32 $0x80;
	s14 =	simm.s32 $0x280;
	[smem:$0x7FF] =	sst s28  }
0x7: {  	s2 =	sand.u32 $0x1, s2;
	_ =	strace $0x80000047;
	[dreg:$0x17] =	wrdreg s12  }
0x8: {  	s7 =	sshll.u32 s7, $0x9;
	s6 =	sshll.u32 s2, $0xD;
	[dreg:$0x18] =	wrdreg s13  }
0x9: {  	s15 =	simm.s32 $0xC0;
	[dreg:$0x19] =	wrdreg s14;
	s6 =	sor.u32 s7, s6  }
0xa: {  	s16 =	simm.s32 $0x2C0;
	[dreg:$0x1a] =	wrdreg s15;
	s7 =	sshrl.u32 s6, $0x3  }
0xb: {  	[dreg:$0x1b] =	wrdreg s16;
	s0 =	sadd.s32 s0, s7  }
0xc: {  	s6 =	sshll.u32 s6, $0x5;
	s17 =	sadd.s32 s1, s7;
	[dreg:$0x6] =	wrdreg s0  }
0xd: {  	s3 =	sadd.s32 s3, s6;
	[dreg:$0x7] =	wrdreg s17  }
0xe: {  	s18 =	sadd.s32 $0x80, s3;
	[smem:$0x7F9] =	sst s3  }
0xf: {  	s19 =	sadd.s32 $0x800, s3;
	[dreg:$0x8] =	wrdreg s18  }
0x10: {  	s20 =	sadd.s32 $0x880, s3;
	[dreg:$0x9] =	wrdreg s19  }
0x11: {  	p0 =	por $0x0, $0x0;
	s21 =	sadd.s32 $0x1000, s3;
	[dreg:$0xa] =	wrdreg s20  }
0x12: {  	s31 =	simm.s32 $0x4;
	s22 =	sadd.s32 $0x1080, s3;
	[dreg:$0xb] =	wrdreg s21  }
0x13: {  	s30 =	simm.s32 $0x5;
	s23 =	sadd.s32 $0x1800, s3;
	[dreg:$0xc] =	wrdreg s22  }
0x14: {  	s29 =	simm.s32 $0x6;
	s24 =	sadd.s32 $0x1880, s3;
	[dreg:$0xd] =	wrdreg s23  }
0x15: {  	s8 =	ssub.s32 $0x2, s2;
	s25 =	sadd.s32 $0x2000, s3;
	[dreg:$0xe] =	wrdreg s24  }
0x16: {  	s14 =	simm.s32 $0x800;
	s26 =	sadd.s32 $0x2080, s3;
	[dreg:$0xf] =	wrdreg s25  }
0x17: {  	s16 =	simm.s32 $0x9;
	s1 =	sadd.s32 $0x2800, s3;
	[dreg:$0x10] =	wrdreg s26  }
0x18: {  	s15 =	simm.s32 $0xA;
	s6 =	sadd.s32 $0x2880, s3;
	[dreg:$0x11] =	wrdreg s1  }
0x19: {  	s13 =	simm.s32 $0xB;
	s7 =	sadd.s32 $0x3000, s3;
	[dreg:$0x12] =	wrdreg s6  }
0x1a: {  	s12 =	simm.s32 $0xC;
	s9 =	sadd.s32 $0x3080, s3;
	[dreg:$0x13] =	wrdreg s7  }
0x1b: {  	s2 =	sshrl.u32 s8, $0x1;
	s10 =	sadd.s32 $0x3800, s3;
	[dreg:$0x14] =	wrdreg s9  }
0x1c: {  	s11 =	sadd.s32 $0x3880, s3;
	s3 =	simm.s32 $0x2;
	[dreg:$0x15] =	wrdreg s10  }
0x1d: {  	s17 =	simm.s32 $0x100;
	s1 =	ssub.s32 s8, s2;
	[dreg:$0x16] =	wrdreg s11  }
0x1e: {  	s20 =	simm.s32 $0x200;
	s10 =	simm.s32 $0x1;
	s23 =	simm.s32 $0x40  }
0x1f: {  	s2 =	simm.s32 $0x400;
	[dreg:$0x1c] =	wrdreg s17;
	s18 =	simm.s32 $0x300  }
0x20: {  	s11 =	simm.s32 $0xC400;
	s19 =	simm.s32 $0x140;
	[dreg:$0x1d] =	wrdreg s18  }
0x21: {  	s21 =	simm.s32 $0x340;
	s1 =	smax.u32 s1, $0x1;
	[dreg:$0x1e] =	wrdreg s19  }
0x22: {  	s22 =	simm.s32 $0x180;
	[dreg:$0x1f] =	wrdreg s21;
	p1 =	sne.s32 s1, $0x1  }
.Ltmp0:
0x23: {  	s24 =	simm.s32 $0x380;
	[smem:$0x7FA] =	sst s22;
	(pc) =	sbr.rel @!p1 .LBB2_1-.Ltmp0, $4  }
0x24: {  	s7 =	simm.s32 $0x2400;
	s25 =	simm.s32 $0x1C0;
	[smem:$0x7FB] =	sst s24  }
0x25: {  	s8 =	simm.s32 $0xE400;
	s26 =	simm.s32 $0x3C0;
	[smem:$0x7FC] =	sst s25  }
0x26: {  	s9 =	simm.s32 $0x7;
	s6 =	simm.s32 $0x8;
	[smem:$0x7FD] =	sst s26  }
0x27: {  	s19 =	rddreg [dreg:$0x6];
	s0 =	sadd.s32 $0xFFFFFFFF, s1;
	s1 =	simm.s32 $0x3  }
0x28: {  	[tilespmem:s28], [sflag:$0x1] =	stream.linear.gather [hbm4b:s19+s28], $0x200, $0x38;
	[tilespmem:$0x18400] =	vst v63  }
0x29: {  	s17 =	rddreg [dreg:$0x7]  }
0x2a: {  	[tilespmem:s20], [sflag:$0x2] =	stream.linear.gather [hbm4b:s17+s28], $0x200, $0x38;
	[tilespmem:$0x18400] =	vst v63  }
0x2b: {  	_ =	swait.ge [sflag:s10], $0x200  }
0x2c: {  	[sflag:s10] =	ssyncset.done $0x0  }
0x2d: {  	[sflag:s10] =	ssyncadd.s32 $0xFFFFFE00  }
0x2e: {  	_ =	swait.ge [sflag:s3], $0x200  }
0x2f: {  	[sflag:s3] =	ssyncset.done $0x0  }
0x30: {  	[sflag:s3] =	ssyncadd.s32 $0xFFFFFE00  }
0x31: {  	[tilespmem:s2], [sflag:$0x1] =	stream.indirect.gather [hbm4b:s4+s23], $0x80, s28, s23, $0xb8;
	[tilespmem:$0x18400] =	vst v63  }
0x32: {  	_ = 	snop  }
0x33: {  	[tilespmem:s11], [sflag:$0x1] =	stream.indirect.gather [hbm4b:s5+s23], $0x80, s20, s23, $0xb8;
	[tilespmem:$0x18400] =	vst v63  }
0x34: {  	_ = 	snop  }
0x35: {  	[tilespmem:s7], [sflag:$0x2] =	stream.indirect.gather [hbm4b:s4+s23], $0x80, s23, s23, $0xb8;
	[tilespmem:$0x18400] =	vst v63  }
0x36: {  	s20 =	rddreg [dreg:$0x17]  }
0x37: {  	[tilespmem:s8], [sflag:$0x2] =	stream.indirect.gather [hbm4b:s5+s23], $0x80, s20, s23, $0xb8;
	[tilespmem:$0x18400] =	vst v63  }
0x38: {  	s21 =	rddreg [dreg:$0x18];
	s20 =	simm.s32 $0x4400  }
0x39: {  	[tilespmem:s20], [sflag:$0x3] =	stream.indirect.gather [hbm4b:s4+s23], $0x80, s21, s23, $0xb8;
	[tilespmem:$0x18400] =	vst v63  }
0x3a: {  	s24 =	simm.s32 $0x10400;
	s22 =	rddreg [dreg:$0x19]  }
0x3b: {  	[tilespmem:s24], [sflag:$0x3] =	stream.indirect.gather [hbm4b:s5+s23], $0x80, s22, s23, $0xb8;
	[tilespmem:$0x18400] =	vst v63  }
0x3c: {  	s25 =	rddreg [dreg:$0x1a];
	s21 =	simm.s32 $0x6400  }
0x3d: {  	[tilespmem:s21], [sflag:$0x4] =	stream.indirect.gather [hbm4b:s4+s23], $0x80, s25, s23, $0xb8;
	[tilespmem:$0x18400] =	vst v63  }
0x3e: {  	s18 =	simm.s32 $0x12400;
	s26 =	rddreg [dreg:$0x1b]  }
0x3f: {  	[tilespmem:s18], [sflag:$0x4] =	stream.indirect.gather [hbm4b:s5+s23], $0x80, s26, s23, $0xb8;
	[tilespmem:$0x18400] =	vst v63  }
0x40: {  	s22 =	rddreg [dreg:$0x1c];
	s25 =	simm.s32 $0x8400  }
0x41: {  	[tilespmem:s25], [sflag:$0x5] =	stream.indirect.gather [hbm4b:s4+s23], $0x80, s22, s23, $0xb8;
	[tilespmem:$0x18400] =	vst v63  }
0x42: {  	s26 =	rddreg [dreg:$0x1d];
	s22 =	simm.s32 $0x14400  }
0x43: {  	[tilespmem:s22], [sflag:$0x5] =	stream.indirect.gather [hbm4b:s5+s23], $0x80, s26, s23, $0xb8;
	[tilespmem:$0x18400] =	vst v63  }
0x44: {  	s19 =	rddreg [dreg:$0x1e];
	s26 =	simm.s32 $0xA400  }
0x45: {  	[tilespmem:s26], [sflag:$0x6] =	stream.indirect.gather [hbm4b:s4+s23], $0x80, s19, s23, $0xb8;
	[tilespmem:$0x18400] =	vst v63  }
0x46: {  	s17 =	rddreg [dreg:$0x1f];
	s26 =	simm.s32 $0x16400  }
0x47: {  	[tilespmem:s26], [sflag:$0x6] =	stream.indirect.gather [hbm4b:s5+s23], $0x80, s17, s23, $0xb8;
	[tilespmem:$0x18400] =	vst v63  }
0x48: {  	_ =	swait.ge [sflag:s10], $0x2000  }
0x49: {  	[sflag:s10] =	ssyncset.done $0x0  }
0x4a: {  	[sflag:s10] =	ssyncadd.s32 $0xFFFFE000  }
0x4b: {  	_ =	swait.ge [sflag:s10], $0x2000  }
0x4c: {  	s19 =	sld [smem:$0x7F9]  }
0x4d: {  	[sflag:s10] =	ssyncset.done $0x0  }
0x4e: {  	[sflag:s10] =	ssyncadd.s32 $0xFFFFE000  }
0x4f: {  	[hbm4b:s19+s2] =	stream.strided.scatter [tilespmem:s2], [sflag:$0x7], $0x2000, s14, s2, $0x38;
	[tilespmem:$0x18400] =	vst v63  }
0x50: {  	s17 =	rddreg [dreg:$0x8]  }
0x51: {  	[hbm4b:s17+s2] =	stream.strided.scatter [tilespmem:s11], [sflag:$0x7], $0x2000, s14, s2, $0x38;
	[tilespmem:$0x18400] =	vst v63  }
0x52: {  	_ =	swait.ge [sflag:s9], $0x2000  }
0x53: {  	[sflag:s9] =	ssyncset.done $0x0  }
0x54: {  	[sflag:s9] =	ssyncadd.s32 $0xFFFFE000  }
0x55: {  	_ =	swait.ge [sflag:s9], $0x2000  }
0x56: {  	s17 =	sld [smem:$0x7FA]  }
0x57: {  	[sflag:s9] =	ssyncset.done $0x0  }
0x58: {  	s19 =	sld [smem:$0x7FB];
	[sflag:s9] =	ssyncadd.s32 $0xFFFFE000  }
0x59: {  	[tilespmem:s2], [sflag:$0x1] =	stream.indirect.gather [hbm4b:s4+s23], $0x80, s17, s23, $0xb8;
	[tilespmem:$0x18400] =	vst v63  }
0x5a: {  	_ = 	snop  }
0x5b: {  	[tilespmem:s11], [sflag:$0x1] =	stream.indirect.gather [hbm4b:s5+s23], $0x80, s19, s23, $0xb8;
	[tilespmem:$0x18400] =	vst v63  }
0x5c: {  	_ =	swait.ge [sflag:s3], $0x2000  }
0x5d: {  	[sflag:s3] =	ssyncset.done $0x0  }
0x5e: {  	[sflag:s3] =	ssyncadd.s32 $0xFFFFE000  }
0x5f: {  	_ =	swait.ge [sflag:s3], $0x2000  }
0x60: {  	[sflag:s3] =	ssyncset.done $0x0  }
0x61: {  	s17 =	rddreg [dreg:$0x9];
	[sflag:s3] =	ssyncadd.s32 $0xFFFFE000  }
0x62: {  	[hbm4b:s17+s2] =	stream.strided.scatter [tilespmem:s7], [sflag:$0x8], $0x2000, s14, s2, $0x38;
	[tilespmem:$0x18400] =	vst v63  }
0x63: {  	s19 =	rddreg [dreg:$0xa]  }
0x64: {  	[hbm4b:s19+s2] =	stream.strided.scatter [tilespmem:s8], [sflag:$0x8], $0x2000, s14, s2, $0x38;
	[tilespmem:$0x18400] =	vst v63  }
0x65: {  	_ =	swait.ge [sflag:s6], $0x2000  }
0x66: {  	[sflag:s6] =	ssyncset.done $0x0  }
0x67: {  	[sflag:s6] =	ssyncadd.s32 $0xFFFFE000  }
0x68: {  	_ =	swait.ge [sflag:s6], $0x2000  }
0x69: {  	s17 =	sld [smem:$0x7FC]  }
0x6a: {  	[sflag:s6] =	ssyncset.done $0x0  }
0x6b: {  	s19 =	sld [smem:$0x7FD];
	[sflag:s6] =	ssyncadd.s32 $0xFFFFE000  }
0x6c: {  	[tilespmem:s7], [sflag:$0x2] =	stream.indirect.gather [hbm4b:s4+s23], $0x80, s17, s23, $0xb8;
	[tilespmem:$0x18400] =	vst v63  }
0x6d: {  	_ = 	snop  }
0x6e: {  	[tilespmem:s8], [sflag:$0x2] =	stream.indirect.gather [hbm4b:s5+s23], $0x80, s19, s23, $0xb8;
	[tilespmem:$0x18400] =	vst v63  }
0x6f: {  	_ =	swait.ge [sflag:s1], $0x2000  }
0x70: {  	[sflag:s1] =	ssyncset.done $0x0  }
0x71: {  	[sflag:s1] =	ssyncadd.s32 $0xFFFFE000  }
0x72: {  	_ =	swait.ge [sflag:s1], $0x2000  }
0x73: {  	[sflag:s1] =	ssyncset.done $0x0  }
0x74: {  	s17 =	rddreg [dreg:$0xb];
	[sflag:s1] =	ssyncadd.s32 $0xFFFFE000  }
0x75: {  	[hbm4b:s17+s2] =	stream.strided.scatter [tilespmem:s20], [sflag:$0x9], $0x2000, s14, s2, $0x38;
	[tilespmem:$0x18400] =	vst v63  }
0x76: {  	s19 =	rddreg [dreg:$0xc]  }
0x77: {  	[hbm4b:s19+s2] =	stream.strided.scatter [tilespmem:s24], [sflag:$0x9], $0x2000, s14, s2, $0x38;
	[tilespmem:$0x18400] =	vst v63  }
0x78: {  	_ =	swait.ge [sflag:s31], $0x2000  }
0x79: {  	[sflag:s31] =	ssyncset.done $0x0  }
0x7a: {  	[sflag:s31] =	ssyncadd.s32 $0xFFFFE000  }
0x7b: {  	_ =	swait.ge [sflag:s31], $0x2000  }
0x7c: {  	[sflag:s31] =	ssyncset.done $0x0  }
0x7d: {  	s19 =	rddreg [dreg:$0xd];
	[sflag:s31] =	ssyncadd.s32 $0xFFFFE000  }
0x7e: {  	[hbm4b:s19+s2] =	stream.strided.scatter [tilespmem:s21], [sflag:$0xA], $0x2000, s14, s2, $0x38;
	[tilespmem:$0x18400] =	vst v63  }
0x7f: {  	s20 =	rddreg [dreg:$0xe]  }
0x80: {  	[hbm4b:s20+s2] =	stream.strided.scatter [tilespmem:s18], [sflag:$0xA], $0x2000, s14, s2, $0x38;
	[tilespmem:$0x18400] =	vst v63  }
0x81: {  	_ =	swait.ge [sflag:s30], $0x2000  }
0x82: {  	[sflag:s30] =	ssyncset.done $0x0  }
0x83: {  	[sflag:s30] =	ssyncadd.s32 $0xFFFFE000  }
0x84: {  	_ =	swait.ge [sflag:s30], $0x2000  }
0x85: {  	[sflag:s30] =	ssyncset.done $0x0  }
0x86: {  	s24 =	rddreg [dreg:$0xf];
	[sflag:s30] =	ssyncadd.s32 $0xFFFFE000  }
0x87: {  	[hbm4b:s24+s2] =	stream.strided.scatter [tilespmem:s25], [sflag:$0xB], $0x2000, s14, s2, $0x38;
	[tilespmem:$0x18400] =	vst v63  }
0x88: {  	s18 =	rddreg [dreg:$0x10]  }
0x89: {  	[hbm4b:s18+s2] =	stream.strided.scatter [tilespmem:s22], [sflag:$0xB], $0x2000, s14, s2, $0x38;
	[tilespmem:$0x18400] =	vst v63  }
0x8a: {  	_ =	swait.ge [sflag:s29], $0x2000  }
0x8b: {  	[sflag:s29] =	ssyncset.done $0x0  }
0x8c: {  	[sflag:s29] =	ssyncadd.s32 $0xFFFFE000  }
0x8d: {  	_ =	swait.ge [sflag:s29], $0x2000  }
0x8e: {  	[sflag:s29] =	ssyncset.done $0x0  }
0x8f: {  	s21 =	simm.s32 $0xA400;
	s19 =	rddreg [dreg:$0x11];
	[sflag:s29] =	ssyncadd.s32 $0xFFFFE000  }
0x90: {  	[hbm4b:s19+s2] =	stream.strided.scatter [tilespmem:s21], [sflag:$0xC], $0x2000, s14, s2, $0x38;
	[tilespmem:$0x18400] =	vst v63  }
0x91: {  	s20 =	rddreg [dreg:$0x12]  }
0x92: {  	[hbm4b:s20+s2] =	stream.strided.scatter [tilespmem:s26], [sflag:$0xC], $0x2000, s14, s2, $0x38;
	[tilespmem:$0x18400] =	vst v63  }
0x93: {  	_ =	swait.ge [sflag:s10], $0x2000  }
0x94: {  	[sflag:s10] =	ssyncset.done $0x0  }
0x95: {  	[sflag:s10] =	ssyncadd.s32 $0xFFFFE000  }
0x96: {  	_ =	swait.ge [sflag:s10], $0x2000  }
0x97: {  	[sflag:s10] =	ssyncset.done $0x0  }
0x98: {  	s22 =	rddreg [dreg:$0x13];
	[sflag:s10] =	ssyncadd.s32 $0xFFFFE000  }
0x99: {  	[hbm4b:s22+s2] =	stream.strided.scatter [tilespmem:s2], [sflag:$0x7], $0x2000, s14, s2, $0x38;
	[tilespmem:$0x18400] =	vst v63  }
0x9a: {  	s24 =	rddreg [dreg:$0x14]  }
0x9b: {  	[hbm4b:s24+s2] =	stream.strided.scatter [tilespmem:s11], [sflag:$0x7], $0x2000, s14, s2, $0x38;
	[tilespmem:$0x18400] =	vst v63  }
0x9c: {  	_ =	swait.ge [sflag:s3], $0x2000  }
0x9d: {  	[sflag:s3] =	ssyncset.done $0x0  }
0x9e: {  	[sflag:s3] =	ssyncadd.s32 $0xFFFFE000  }
0x9f: {  	_ =	swait.ge [sflag:s3], $0x2000  }
0xa0: {  	[sflag:s3] =	ssyncset.done $0x0  }
0xa1: {  	s25 =	rddreg [dreg:$0x15];
	[sflag:s3] =	ssyncadd.s32 $0xFFFFE000  }
0xa2: {  	[hbm4b:s25+s2] =	stream.strided.scatter [tilespmem:s7], [sflag:$0x8], $0x2000, s14, s2, $0x38;
	[tilespmem:$0x18400] =	vst v63  }
0xa3: {  	s26 =	rddreg [dreg:$0x16]  }
0xa4: {  	[hbm4b:s26+s2] =	stream.strided.scatter [tilespmem:s8], [sflag:$0x8], $0x2000, s14, s2, $0x38;
	[tilespmem:$0x18400] =	vst v63  }
0xa5: {  	_ =	swait.ge [sflag:s16], $0x2000  }
0xa6: {  	[sflag:s16] =	ssyncset.done $0x0  }
0xa7: {  	[sflag:s16] =	ssyncadd.s32 $0xFFFFE000  }
0xa8: {  	_ =	swait.ge [sflag:s16], $0x2000  }
0xa9: {  	[sflag:s16] =	ssyncset.done $0x0  }
0xaa: {  	[sflag:s16] =	ssyncadd.s32 $0xFFFFE000  }
0xab: {  	_ =	swait.ge [sflag:s15], $0x2000  }
0xac: {  	[sflag:s15] =	ssyncset.done $0x0  }
0xad: {  	[sflag:s15] =	ssyncadd.s32 $0xFFFFE000  }
0xae: {  	_ =	swait.ge [sflag:s15], $0x2000  }
0xaf: {  	[sflag:s15] =	ssyncset.done $0x0  }
0xb0: {  	[sflag:s15] =	ssyncadd.s32 $0xFFFFE000  }
0xb1: {  	_ =	swait.ge [sflag:s13], $0x2000  }
0xb2: {  	[sflag:s13] =	ssyncset.done $0x0  }
0xb3: {  	[sflag:s13] =	ssyncadd.s32 $0xFFFFE000  }
0xb4: {  	_ =	swait.ge [sflag:s13], $0x2000  }
0xb5: {  	[sflag:s13] =	ssyncset.done $0x0  }
0xb6: {  	[sflag:s13] =	ssyncadd.s32 $0xFFFFE000  }
0xb7: {  	_ =	swait.ge [sflag:s12], $0x2000  }
0xb8: {  	[sflag:s12] =	ssyncset.done $0x0  }
0xb9: {  	[sflag:s12] =	ssyncadd.s32 $0xFFFFE000  }
0xba: {  	_ =	swait.ge [sflag:s12], $0x2000  }
0xbb: {  	[sflag:s12] =	ssyncset.done $0x0  }
0xbc: {  	[sflag:s12] =	ssyncadd.s32 $0xFFFFE000  }
0xbd: {  	_ =	swait.ge [sflag:s9], $0x2000  }
0xbe: {  	[sflag:s9] =	ssyncset.done $0x0  }
0xbf: {  	[sflag:s9] =	ssyncadd.s32 $0xFFFFE000  }
0xc0: {  	_ =	swait.ge [sflag:s9], $0x2000  }
0xc1: {  	[sflag:s9] =	ssyncset.done $0x0  }
0xc2: {  	p1 =	sne.s32 s0, $0x1;
	[sflag:s9] =	ssyncadd.s32 $0xFFFFE000  }
.Ltmp1:
0xc3: {  	_ =	swait.ge [sflag:s6], $0x2000;
	(pc) =	sbr.rel @!p1 .LBB2_7-.Ltmp1, $4  }
0xc4: {  	[sflag:s6] =	ssyncset.done $0x0  }
0xc5: {  	[sflag:s6] =	ssyncadd.s32 $0xFFFFE000  }
0xc6: {  	p0 =	por $0x1, $0x1;
	_ =	swait.ge [sflag:s6], $0x2000  }
0xc7: {  	s17 =	sadd.s32 $0xFFFFFFFF, s0;
	s19 =	rddreg [dreg:$0x6];
	[sflag:s6] =	ssyncset.done $0x0  }
0xc8: {  	s26 =	simm.s32 $0x4400;
	s24 =	simm.s32 $0x10400;
	s18 =	simm.s32 $0x12400  }
0xc9: {  	s21 =	simm.s32 $0x8400;
	s22 =	simm.s32 $0x14400;
	s25 =	simm.s32 $0x16400  }
.LBB2_4:
0xca: {  	[sflag:s6] =	ssyncadd.s32 $0xFFFFE000  }
0xcb: {  	[tilespmem:s28], [sflag:$0x1] =	stream.linear.gather [hbm4b:s19+s28], $0x200, $0x38;
	[tilespmem:$0x18400] =	vst v63  }
0xcc: {  	s20 =	rddreg [dreg:$0x7];
	s0 =	simm.s32 $0x200  }
0xcd: {  	[tilespmem:s0], [sflag:$0x2] =	stream.linear.gather [hbm4b:s20+s28], $0x200, $0x38;
	[tilespmem:$0x18400] =	vst v63  }
0xce: {  	_ =	swait.ge [sflag:s10], $0x200  }
0xcf: {  	[sflag:s10] =	ssyncset.done $0x0  }
0xd0: {  	[sflag:s10] =	ssyncadd.s32 $0xFFFFFE00  }
0xd1: {  	_ =	swait.ge [sflag:s3], $0x200  }
0xd2: {  	[sflag:s3] =	ssyncset.done $0x0  }
0xd3: {  	[sflag:s3] =	ssyncadd.s32 $0xFFFFFE00  }
0xd4: {  	[tilespmem:s2], [sflag:$0x1] =	stream.indirect.gather [hbm4b:s4+s23], $0x80, s28, s23, $0xb8;
	[tilespmem:$0x18400] =	vst v63  }
0xd5: {  	_ = 	snop  }
0xd6: {  	[tilespmem:s11], [sflag:$0x1] =	stream.indirect.gather [hbm4b:s5+s23], $0x80, s0, s23, $0xb8;
	[tilespmem:$0x18400] =	vst v63  }
0xd7: {  	_ = 	snop  }
0xd8: {  	[tilespmem:s7], [sflag:$0x2] =	stream.indirect.gather [hbm4b:s4+s23], $0x80, s23, s23, $0xb8;
	[tilespmem:$0x18400] =	vst v63  }
0xd9: {  	s0 =	rddreg [dreg:$0x17]  }
0xda: {  	[tilespmem:s8], [sflag:$0x2] =	stream.indirect.gather [hbm4b:s5+s23], $0x80, s0, s23, $0xb8;
	[tilespmem:$0x18400] =	vst v63  }
0xdb: {  	s20 =	rddreg [dreg:$0x18]  }
0xdc: {  	[tilespmem:s26], [sflag:$0x3] =	stream.indirect.gather [hbm4b:s4+s23], $0x80, s20, s23, $0xb8;
	[tilespmem:$0x18400] =	vst v63  }
0xdd: {  	s0 =	rddreg [dreg:$0x19]  }
0xde: {  	[tilespmem:s24], [sflag:$0x3] =	stream.indirect.gather [hbm4b:s5+s23], $0x80, s0, s23, $0xb8;
	[tilespmem:$0x18400] =	vst v63  }
0xdf: {  	s20 =	rddreg [dreg:$0x1a];
	s0 =	simm.s32 $0x6400  }
0xe0: {  	[tilespmem:s0], [sflag:$0x4] =	stream.indirect.gather [hbm4b:s4+s23], $0x80, s20, s23, $0xb8;
	[tilespmem:$0x18400] =	vst v63  }
0xe1: {  	s19 =	rddreg [dreg:$0x1b]  }
0xe2: {  	[tilespmem:s18], [sflag:$0x4] =	stream.indirect.gather [hbm4b:s5+s23], $0x80, s19, s23, $0xb8;
	[tilespmem:$0x18400] =	vst v63  }
0xe3: {  	s20 =	rddreg [dreg:$0x1c]  }
0xe4: {  	[tilespmem:s21], [sflag:$0x5] =	stream.indirect.gather [hbm4b:s4+s23], $0x80, s20, s23, $0xb8;
	[tilespmem:$0x18400] =	vst v63  }
0xe5: {  	s19 =	rddreg [dreg:$0x1d]  }
0xe6: {  	[tilespmem:s22], [sflag:$0x5] =	stream.indirect.gather [hbm4b:s5+s23], $0x80, s19, s23, $0xb8;
	[tilespmem:$0x18400] =	vst v63  }
0xe7: {  	s28 =	simm.s32 $0xA400;
	s20 =	rddreg [dreg:$0x1e]  }
0xe8: {  	[tilespmem:s28], [sflag:$0x6] =	stream.indirect.gather [hbm4b:s4+s23], $0x80, s20, s23, $0xb8;
	[tilespmem:$0x18400] =	vst v63  }
0xe9: {  	s19 =	rddreg [dreg:$0x1f]  }
0xea: {  	[tilespmem:s25], [sflag:$0x6] =	stream.indirect.gather [hbm4b:s5+s23], $0x80, s19, s23, $0xb8;
	[tilespmem:$0x18400] =	vst v63  }
0xeb: {  	_ =	swait.ge [sflag:s10], $0x2000  }
0xec: {  	[sflag:s10] =	ssyncset.done $0x0  }
0xed: {  	[sflag:s10] =	ssyncadd.s32 $0xFFFFE000  }
0xee: {  	_ =	swait.ge [sflag:s10], $0x2000  }
0xef: {  	s20 =	sld [smem:$0x7F9]  }
0xf0: {  	[sflag:s10] =	ssyncset.done $0x0  }
0xf1: {  	[sflag:s10] =	ssyncadd.s32 $0xFFFFE000  }
0xf2: {  	[hbm4b:s20+s2] =	stream.strided.scatter [tilespmem:s2], [sflag:$0x7], $0x2000, s14, s2, $0x38;
	[tilespmem:$0x18400] =	vst v63  }
0xf3: {  	s19 =	rddreg [dreg:$0x8]  }
0xf4: {  	[hbm4b:s19+s2] =	stream.strided.scatter [tilespmem:s11], [sflag:$0x7], $0x2000, s14, s2, $0x38;
	[tilespmem:$0x18400] =	vst v63  }
0xf5: {  	_ =	swait.ge [sflag:s9], $0x2000  }
0xf6: {  	[sflag:s9] =	ssyncset.done $0x0  }
0xf7: {  	[sflag:s9] =	ssyncadd.s32 $0xFFFFE000  }
0xf8: {  	_ =	swait.ge [sflag:s9], $0x2000  }
0xf9: {  	s19 =	sld [smem:$0x7FA]  }
0xfa: {  	[sflag:s9] =	ssyncset.done $0x0  }
0xfb: {  	s20 =	sld [smem:$0x7FB];
	[sflag:s9] =	ssyncadd.s32 $0xFFFFE000  }
0xfc: {  	[tilespmem:s2], [sflag:$0x1] =	stream.indirect.gather [hbm4b:s4+s23], $0x80, s19, s23, $0xb8;
	[tilespmem:$0x18400] =	vst v63  }
0xfd: {  	_ = 	snop  }
0xfe: {  	[tilespmem:s11], [sflag:$0x1] =	stream.indirect.gather [hbm4b:s5+s23], $0x80, s20, s23, $0xb8;
	[tilespmem:$0x18400] =	vst v63  }
0xff: {  	_ =	swait.ge [sflag:s3], $0x2000  }
0x100: {  	[sflag:s3] =	ssyncset.done $0x0  }
0x101: {  	[sflag:s3] =	ssyncadd.s32 $0xFFFFE000  }
0x102: {  	_ =	swait.ge [sflag:s3], $0x2000  }
0x103: {  	[sflag:s3] =	ssyncset.done $0x0  }
0x104: {  	s19 =	rddreg [dreg:$0x9];
	[sflag:s3] =	ssyncadd.s32 $0xFFFFE000  }
0x105: {  	[hbm4b:s19+s2] =	stream.strided.scatter [tilespmem:s7], [sflag:$0x8], $0x2000, s14, s2, $0x38;
	[tilespmem:$0x18400] =	vst v63  }
0x106: {  	s20 =	rddreg [dreg:$0xa]  }
0x107: {  	[hbm4b:s20+s2] =	stream.strided.scatter [tilespmem:s8], [sflag:$0x8], $0x2000, s14, s2, $0x38;
	[tilespmem:$0x18400] =	vst v63  }
0x108: {  	_ =	swait.ge [sflag:s6], $0x2000  }
0x109: {  	[sflag:s6] =	ssyncset.done $0x0  }
0x10a: {  	[sflag:s6] =	ssyncadd.s32 $0xFFFFE000  }
0x10b: {  	_ =	swait.ge [sflag:s6], $0x2000  }
0x10c: {  	s19 =	sld [smem:$0x7FC]  }
0x10d: {  	[sflag:s6] =	ssyncset.done $0x0  }
0x10e: {  	s20 =	sld [smem:$0x7FD];
	[sflag:s6] =	ssyncadd.s32 $0xFFFFE000  }
0x10f: {  	[tilespmem:s7], [sflag:$0x2] =	stream.indirect.gather [hbm4b:s4+s23], $0x80, s19, s23, $0xb8;
	[tilespmem:$0x18400] =	vst v63  }
0x110: {  	_ = 	snop  }
0x111: {  	[tilespmem:s8], [sflag:$0x2] =	stream.indirect.gather [hbm4b:s5+s23], $0x80, s20, s23, $0xb8;
	[tilespmem:$0x18400] =	vst v63  }
0x112: {  	_ =	swait.ge [sflag:s1], $0x2000  }
0x113: {  	[sflag:s1] =	ssyncset.done $0x0  }
0x114: {  	[sflag:s1] =	ssyncadd.s32 $0xFFFFE000  }
0x115: {  	_ =	swait.ge [sflag:s1], $0x2000  }
0x116: {  	[sflag:s1] =	ssyncset.done $0x0  }
0x117: {  	s19 =	rddreg [dreg:$0xb];
	[sflag:s1] =	ssyncadd.s32 $0xFFFFE000  }
0x118: {  	[hbm4b:s19+s2] =	stream.strided.scatter [tilespmem:s26], [sflag:$0x9], $0x2000, s14, s2, $0x38;
	[tilespmem:$0x18400] =	vst v63  }
0x119: {  	s20 =	rddreg [dreg:$0xc]  }
0x11a: {  	[hbm4b:s20+s2] =	stream.strided.scatter [tilespmem:s24], [sflag:$0x9], $0x2000, s14, s2, $0x38;
	[tilespmem:$0x18400] =	vst v63  }
0x11b: {  	_ =	swait.ge [sflag:s31], $0x2000  }
0x11c: {  	[sflag:s31] =	ssyncset.done $0x0  }
0x11d: {  	[sflag:s31] =	ssyncadd.s32 $0xFFFFE000  }
0x11e: {  	_ =	swait.ge [sflag:s31], $0x2000  }
0x11f: {  	[sflag:s31] =	ssyncset.done $0x0  }
0x120: {  	s19 =	rddreg [dreg:$0xd];
	[sflag:s31] =	ssyncadd.s32 $0xFFFFE000  }
0x121: {  	[hbm4b:s19+s2] =	stream.strided.scatter [tilespmem:s0], [sflag:$0xA], $0x2000, s14, s2, $0x38;
	[tilespmem:$0x18400] =	vst v63  }
0x122: {  	s20 =	rddreg [dreg:$0xe]  }
0x123: {  	[hbm4b:s20+s2] =	stream.strided.scatter [tilespmem:s18], [sflag:$0xA], $0x2000, s14, s2, $0x38;
	[tilespmem:$0x18400] =	vst v63  }
0x124: {  	_ =	swait.ge [sflag:s30], $0x2000  }
0x125: {  	[sflag:s30] =	ssyncset.done $0x0  }
0x126: {  	[sflag:s30] =	ssyncadd.s32 $0xFFFFE000  }
0x127: {  	_ =	swait.ge [sflag:s30], $0x2000  }
0x128: {  	[sflag:s30] =	ssyncset.done $0x0  }
0x129: {  	s20 =	rddreg [dreg:$0xf];
	[sflag:s30] =	ssyncadd.s32 $0xFFFFE000  }
0x12a: {  	[hbm4b:s20+s2] =	stream.strided.scatter [tilespmem:s21], [sflag:$0xB], $0x2000, s14, s2, $0x38;
	[tilespmem:$0x18400] =	vst v63  }
0x12b: {  	s0 =	rddreg [dreg:$0x10]  }
0x12c: {  	[hbm4b:s0+s2] =	stream.strided.scatter [tilespmem:s22], [sflag:$0xB], $0x2000, s14, s2, $0x38;
	[tilespmem:$0x18400] =	vst v63  }
0x12d: {  	_ =	swait.ge [sflag:s29], $0x2000  }
0x12e: {  	[sflag:s29] =	ssyncset.done $0x0  }
0x12f: {  	[sflag:s29] =	ssyncadd.s32 $0xFFFFE000  }
0x130: {  	_ =	swait.ge [sflag:s29], $0x2000  }
0x131: {  	[sflag:s29] =	ssyncset.done $0x0  }
0x132: {  	s20 =	rddreg [dreg:$0x11];
	[sflag:s29] =	ssyncadd.s32 $0xFFFFE000  }
0x133: {  	[hbm4b:s20+s2] =	stream.strided.scatter [tilespmem:s28], [sflag:$0xC], $0x2000, s14, s2, $0x38;
	[tilespmem:$0x18400] =	vst v63  }
0x134: {  	s0 =	rddreg [dreg:$0x12]  }
0x135: {  	[hbm4b:s0+s2] =	stream.strided.scatter [tilespmem:s25], [sflag:$0xC], $0x2000, s14, s2, $0x38;
	[tilespmem:$0x18400] =	vst v63  }
0x136: {  	_ =	swait.ge [sflag:s10], $0x2000  }
0x137: {  	[sflag:s10] =	ssyncset.done $0x0  }
0x138: {  	[sflag:s10] =	ssyncadd.s32 $0xFFFFE000  }
0x139: {  	_ =	swait.ge [sflag:s10], $0x2000  }
0x13a: {  	[sflag:s10] =	ssyncset.done $0x0  }
0x13b: {  	s20 =	rddreg [dreg:$0x13];
	[sflag:s10] =	ssyncadd.s32 $0xFFFFE000  }
0x13c: {  	[hbm4b:s20+s2] =	stream.strided.scatter [tilespmem:s2], [sflag:$0x7], $0x2000, s14, s2, $0x38;
	[tilespmem:$0x18400] =	vst v63  }
0x13d: {  	s0 =	rddreg [dreg:$0x14]  }
0x13e: {  	[hbm4b:s0+s2] =	stream.strided.scatter [tilespmem:s11], [sflag:$0x7], $0x2000, s14, s2, $0x38;
	[tilespmem:$0x18400] =	vst v63  }
0x13f: {  	_ =	swait.ge [sflag:s3], $0x2000  }
0x140: {  	[sflag:s3] =	ssyncset.done $0x0  }
0x141: {  	[sflag:s3] =	ssyncadd.s32 $0xFFFFE000  }
0x142: {  	_ =	swait.ge [sflag:s3], $0x2000  }
0x143: {  	[sflag:s3] =	ssyncset.done $0x0  }
0x144: {  	s20 =	rddreg [dreg:$0x15];
	[sflag:s3] =	ssyncadd.s32 $0xFFFFE000  }
0x145: {  	[hbm4b:s20+s2] =	stream.strided.scatter [tilespmem:s7], [sflag:$0x8], $0x2000, s14, s2, $0x38;
	[tilespmem:$0x18400] =	vst v63  }
0x146: {  	s0 =	rddreg [dreg:$0x16]  }
0x147: {  	[hbm4b:s0+s2] =	stream.strided.scatter [tilespmem:s8], [sflag:$0x8], $0x2000, s14, s2, $0x38;
	[tilespmem:$0x18400] =	vst v63  }
0x148: {  	_ =	swait.ge [sflag:s16], $0x2000  }
0x149: {  	[sflag:s16] =	ssyncset.done $0x0  }
0x14a: {  	[sflag:s16] =	ssyncadd.s32 $0xFFFFE000  }
0x14b: {  	_ =	swait.ge [sflag:s16], $0x2000  }
0x14c: {  	[sflag:s16] =	ssyncset.done $0x0  }
0x14d: {  	[sflag:s16] =	ssyncadd.s32 $0xFFFFE000  }
0x14e: {  	_ =	swait.ge [sflag:s15], $0x2000  }
0x14f: {  	[sflag:s15] =	ssyncset.done $0x0  }
0x150: {  	[sflag:s15] =	ssyncadd.s32 $0xFFFFE000  }
0x151: {  	_ =	swait.ge [sflag:s15], $0x2000  }
0x152: {  	[sflag:s15] =	ssyncset.done $0x0  }
0x153: {  	[sflag:s15] =	ssyncadd.s32 $0xFFFFE000  }
0x154: {  	_ =	swait.ge [sflag:s13], $0x2000  }
0x155: {  	[sflag:s13] =	ssyncset.done $0x0  }
0x156: {  	[sflag:s13] =	ssyncadd.s32 $0xFFFFE000  }
0x157: {  	_ =	swait.ge [sflag:s13], $0x2000  }
0x158: {  	[sflag:s13] =	ssyncset.done $0x0  }
0x159: {  	[sflag:s13] =	ssyncadd.s32 $0xFFFFE000  }
0x15a: {  	_ =	swait.ge [sflag:s12], $0x2000  }
0x15b: {  	[sflag:s12] =	ssyncset.done $0x0  }
0x15c: {  	[sflag:s12] =	ssyncadd.s32 $0xFFFFE000  }
0x15d: {  	_ =	swait.ge [sflag:s12], $0x2000  }
0x15e: {  	[sflag:s12] =	ssyncset.done $0x0  }
0x15f: {  	[sflag:s12] =	ssyncadd.s32 $0xFFFFE000  }
0x160: {  	_ =	swait.ge [sflag:s9], $0x2000  }
0x161: {  	[sflag:s9] =	ssyncset.done $0x0  }
0x162: {  	[sflag:s9] =	ssyncadd.s32 $0xFFFFE000  }
0x163: {  	_ =	swait.ge [sflag:s9], $0x2000  }
0x164: {  	[sflag:s9] =	ssyncset.done $0x0  }
0x165: {  	p1 =	sne.s32 s17, $0x1;
	[sflag:s9] =	ssyncadd.s32 $0xFFFFE000  }
.Ltmp2:
0x166: {  	_ =	swait.ge [sflag:s6], $0x2000;
	(pc) =	sbr.rel @p1 .LBB2_4-.Ltmp2, $4  }
0x167: {  	[sflag:s6] =	ssyncset.done $0x0  }
0x168: {  	[sflag:s6] =	ssyncadd.s32 $0xFFFFE000  }
0x169: {  	s17 =	sadd.s32 $0xFFFFFFFF, s17;
	_ =	swait.ge [sflag:s6], $0x2000  }
0x16a: {  	s28 =	simm.s32 $0x0;
	s19 =	rddreg [dreg:$0x6];
	[sflag:s6] =	ssyncset.done $0x0  }
0x16b: {  	s26 =	sld [smem:$0x7F9];
	s20 =	simm.s32 $0x200  }
.LBB2_6:
0x16c: {  	[sflag:s6] =	ssyncadd.s32 @p0 $0xFFFFE000  }
0x16d: {  	[tilespmem:s28], [sflag:$0x1] =	stream.linear.gather [hbm4b:s19+s28], $0x200, $0x38;
	[tilespmem:$0x18400] =	vst v63  }
0x16e: {  	s17 =	rddreg [dreg:$0x7]  }
0x16f: {  	[tilespmem:s20], [sflag:$0x2] =	stream.linear.gather [hbm4b:s17+s28], $0x200, $0x38;
	[tilespmem:$0x18400] =	vst v63  }
0x170: {  	_ =	swait.ge [sflag:s10], $0x200  }
0x171: {  	[sflag:s10] =	ssyncset.done $0x0  }
0x172: {  	[sflag:s10] =	ssyncadd.s32 $0xFFFFFE00  }
0x173: {  	_ =	swait.ge [sflag:s3], $0x200  }
0x174: {  	[sflag:s3] =	ssyncset.done $0x0  }
0x175: {  	[sflag:s3] =	ssyncadd.s32 $0xFFFFFE00  }
0x176: {  	[tilespmem:s2], [sflag:$0x1] =	stream.indirect.gather [hbm4b:s4+s23], $0x80, s28, s23, $0xb8;
	[tilespmem:$0x18400] =	vst v63  }
0x177: {  	_ = 	snop  }
0x178: {  	[tilespmem:s11], [sflag:$0x1] =	stream.indirect.gather [hbm4b:s5+s23], $0x80, s20, s23, $0xb8;
	[tilespmem:$0x18400] =	vst v63  }
0x179: {  	_ = 	snop  }
0x17a: {  	[tilespmem:s7], [sflag:$0x2] =	stream.indirect.gather [hbm4b:s4+s23], $0x80, s23, s23, $0xb8;
	[tilespmem:$0x18400] =	vst v63  }
0x17b: {  	s0 =	rddreg [dreg:$0x17]  }
0x17c: {  	[tilespmem:s8], [sflag:$0x2] =	stream.indirect.gather [hbm4b:s5+s23], $0x80, s0, s23, $0xb8;
	[tilespmem:$0x18400] =	vst v63  }
0x17d: {  	s18 =	rddreg [dreg:$0x18];
	s28 =	simm.s32 $0x4400  }
0x17e: {  	[tilespmem:s28], [sflag:$0x3] =	stream.indirect.gather [hbm4b:s4+s23], $0x80, s18, s23, $0xb8;
	[tilespmem:$0x18400] =	vst v63  }
0x17f: {  	s19 =	rddreg [dreg:$0x19];
	s20 =	simm.s32 $0x10400  }
0x180: {  	[tilespmem:s20], [sflag:$0x3] =	stream.indirect.gather [hbm4b:s5+s23], $0x80, s19, s23, $0xb8;
	[tilespmem:$0x18400] =	vst v63  }
0x181: {  	s24 =	simm.s32 $0x6400;
	s21 =	rddreg [dreg:$0x1a]  }
0x182: {  	[tilespmem:s24], [sflag:$0x4] =	stream.indirect.gather [hbm4b:s4+s23], $0x80, s21, s23, $0xb8;
	[tilespmem:$0x18400] =	vst v63  }
0x183: {  	s25 =	simm.s32 $0x12400;
	s22 =	rddreg [dreg:$0x1b]  }
0x184: {  	[tilespmem:s25], [sflag:$0x4] =	stream.indirect.gather [hbm4b:s5+s23], $0x80, s22, s23, $0xb8;
	[tilespmem:$0x18400] =	vst v63  }
0x185: {  	s18 =	rddreg [dreg:$0x1c];
	s22 =	simm.s32 $0x8400  }
0x186: {  	[tilespmem:s22], [sflag:$0x5] =	stream.indirect.gather [hbm4b:s4+s23], $0x80, s18, s23, $0xb8;
	[tilespmem:$0x18400] =	vst v63  }
0x187: {  	s19 =	rddreg [dreg:$0x1d];
	s18 =	simm.s32 $0x14400  }
0x188: {  	[tilespmem:s18], [sflag:$0x5] =	stream.indirect.gather [hbm4b:s5+s23], $0x80, s19, s23, $0xb8;
	[tilespmem:$0x18400] =	vst v63  }
0x189: {  	s21 =	rddreg [dreg:$0x1e];
	s19 =	simm.s32 $0xA400  }
0x18a: {  	[tilespmem:s19], [sflag:$0x6] =	stream.indirect.gather [hbm4b:s4+s23], $0x80, s21, s23, $0xb8;
	[tilespmem:$0x18400] =	vst v63  }
0x18b: {  	s0 =	rddreg [dreg:$0x1f];
	s21 =	simm.s32 $0x16400  }
0x18c: {  	[tilespmem:s21], [sflag:$0x6] =	stream.indirect.gather [hbm4b:s5+s23], $0x80, s0, s23, $0xb8;
	[tilespmem:$0x18400] =	vst v63  }
0x18d: {  	_ =	swait.ge [sflag:s10], $0x2000  }
0x18e: {  	[sflag:s10] =	ssyncset.done $0x0  }
0x18f: {  	[sflag:s10] =	ssyncadd.s32 $0xFFFFE000  }
0x190: {  	_ =	swait.ge [sflag:s10], $0x2000  }
0x191: {  	[sflag:s10] =	ssyncset.done $0x0  }
0x192: {  	[sflag:s10] =	ssyncadd.s32 $0xFFFFE000  }
0x193: {  	[hbm4b:s26+s2] =	stream.strided.scatter [tilespmem:s2], [sflag:$0x7], $0x2000, s14, s2, $0x38;
	[tilespmem:$0x18400] =	vst v63  }
0x194: {  	s17 =	rddreg [dreg:$0x8]  }
0x195: {  	[hbm4b:s17+s2] =	stream.strided.scatter [tilespmem:s11], [sflag:$0x7], $0x2000, s14, s2, $0x38;
	[tilespmem:$0x18400] =	vst v63  }
0x196: {  	_ =	swait.ge [sflag:s9], $0x2000  }
0x197: {  	[sflag:s9] =	ssyncset.done $0x0  }
0x198: {  	[sflag:s9] =	ssyncadd.s32 $0xFFFFE000  }
0x199: {  	_ =	swait.ge [sflag:s9], $0x2000  }
0x19a: {  	s17 =	sld [smem:$0x7FA]  }
0x19b: {  	[sflag:s9] =	ssyncset.done $0x0  }
0x19c: {  	s26 =	sld [smem:$0x7FB];
	[sflag:s9] =	ssyncadd.s32 $0xFFFFE000  }
0x19d: {  	[tilespmem:s2], [sflag:$0x1] =	stream.indirect.gather [hbm4b:s4+s23], $0x80, s17, s23, $0xb8;
	[tilespmem:$0x18400] =	vst v63  }
0x19e: {  	_ = 	snop  }
0x19f: {  	[tilespmem:s11], [sflag:$0x1] =	stream.indirect.gather [hbm4b:s5+s23], $0x80, s26, s23, $0xb8;
	[tilespmem:$0x18400] =	vst v63  }
0x1a0: {  	_ =	swait.ge [sflag:s3], $0x2000  }
0x1a1: {  	[sflag:s3] =	ssyncset.done $0x0  }
0x1a2: {  	[sflag:s3] =	ssyncadd.s32 $0xFFFFE000  }
0x1a3: {  	_ =	swait.ge [sflag:s3], $0x2000  }
0x1a4: {  	[sflag:s3] =	ssyncset.done $0x0  }
0x1a5: {  	s17 =	rddreg [dreg:$0x9];
	[sflag:s3] =	ssyncadd.s32 $0xFFFFE000  }
0x1a6: {  	[hbm4b:s17+s2] =	stream.strided.scatter [tilespmem:s7], [sflag:$0x8], $0x2000, s14, s2, $0x38;
	[tilespmem:$0x18400] =	vst v63  }
0x1a7: {  	s26 =	rddreg [dreg:$0xa]  }
0x1a8: {  	[hbm4b:s26+s2] =	stream.strided.scatter [tilespmem:s8], [sflag:$0x8], $0x2000, s14, s2, $0x38;
	[tilespmem:$0x18400] =	vst v63  }
0x1a9: {  	_ =	swait.ge [sflag:s6], $0x2000  }
0x1aa: {  	[sflag:s6] =	ssyncset.done $0x0  }
0x1ab: {  	[sflag:s6] =	ssyncadd.s32 $0xFFFFE000  }
0x1ac: {  	_ =	swait.ge [sflag:s6], $0x2000  }
0x1ad: {  	s17 =	sld [smem:$0x7FC]  }
0x1ae: {  	[sflag:s6] =	ssyncset.done $0x0  }
0x1af: {  	s26 =	sld [smem:$0x7FD];
	[sflag:s6] =	ssyncadd.s32 $0xFFFFE000  }
0x1b0: {  	[tilespmem:s7], [sflag:$0x2] =	stream.indirect.gather [hbm4b:s4+s23], $0x80, s17, s23, $0xb8;
	[tilespmem:$0x18400] =	vst v63  }
0x1b1: {  	_ = 	snop  }
0x1b2: {  	[tilespmem:s8], [sflag:$0x2] =	stream.indirect.gather [hbm4b:s5+s23], $0x80, s26, s23, $0xb8;
	[tilespmem:$0x18400] =	vst v63  }
0x1b3: {  	_ =	swait.ge [sflag:s1], $0x2000  }
0x1b4: {  	[sflag:s1] =	ssyncset.done $0x0  }
0x1b5: {  	[sflag:s1] =	ssyncadd.s32 $0xFFFFE000  }
0x1b6: {  	_ =	swait.ge [sflag:s1], $0x2000  }
0x1b7: {  	[sflag:s1] =	ssyncset.done $0x0  }
0x1b8: {  	s26 =	rddreg [dreg:$0xb];
	[sflag:s1] =	ssyncadd.s32 $0xFFFFE000  }
0x1b9: {  	[hbm4b:s26+s2] =	stream.strided.scatter [tilespmem:s28], [sflag:$0x9], $0x2000, s14, s2, $0x38;
	[tilespmem:$0x18400] =	vst v63  }
0x1ba: {  	s4 =	rddreg [dreg:$0xc]  }
0x1bb: {  	[hbm4b:s4+s2] =	stream.strided.scatter [tilespmem:s20], [sflag:$0x9], $0x2000, s14, s2, $0x38;
	[tilespmem:$0x18400] =	vst v63  }
0x1bc: {  	_ =	swait.ge [sflag:s31], $0x2000  }
0x1bd: {  	[sflag:s31] =	ssyncset.done $0x0  }
0x1be: {  	[sflag:s31] =	ssyncadd.s32 $0xFFFFE000  }
0x1bf: {  	_ =	swait.ge [sflag:s31], $0x2000  }
0x1c0: {  	[sflag:s31] =	ssyncset.done $0x0  }
0x1c1: {  	s5 =	rddreg [dreg:$0xd];
	[sflag:s31] =	ssyncadd.s32 $0xFFFFE000  }
0x1c2: {  	[hbm4b:s5+s2] =	stream.strided.scatter [tilespmem:s24], [sflag:$0xA], $0x2000, s14, s2, $0x38;
	[tilespmem:$0x18400] =	vst v63  }
0x1c3: {  	s17 =	rddreg [dreg:$0xe]  }
0x1c4: {  	[hbm4b:s17+s2] =	stream.strided.scatter [tilespmem:s25], [sflag:$0xA], $0x2000, s14, s2, $0x38;
	[tilespmem:$0x18400] =	vst v63  }
0x1c5: {  	_ =	swait.ge [sflag:s30], $0x2000  }
0x1c6: {  	[sflag:s30] =	ssyncset.done $0x0  }
0x1c7: {  	[sflag:s30] =	ssyncadd.s32 $0xFFFFE000  }
0x1c8: {  	_ =	swait.ge [sflag:s30], $0x2000  }
0x1c9: {  	[sflag:s30] =	ssyncset.done $0x0  }
0x1ca: {  	s20 =	rddreg [dreg:$0xf];
	[sflag:s30] =	ssyncadd.s32 $0xFFFFE000  }
0x1cb: {  	[hbm4b:s20+s2] =	stream.strided.scatter [tilespmem:s22], [sflag:$0xB], $0x2000, s14, s2, $0x38;
	[tilespmem:$0x18400] =	vst v63  }
0x1cc: {  	s23 =	rddreg [dreg:$0x10]  }
0x1cd: {  	[hbm4b:s23+s2] =	stream.strided.scatter [tilespmem:s18], [sflag:$0xB], $0x2000, s14, s2, $0x38;
	[tilespmem:$0x18400] =	vst v63  }
0x1ce: {  	_ =	swait.ge [sflag:s29], $0x2000  }
0x1cf: {  	[sflag:s29] =	ssyncset.done $0x0  }
0x1d0: {  	[sflag:s29] =	ssyncadd.s32 $0xFFFFE000  }
0x1d1: {  	_ =	swait.ge [sflag:s29], $0x2000  }
0x1d2: {  	[sflag:s29] =	ssyncset.done $0x0  }
0x1d3: {  	s24 =	rddreg [dreg:$0x11];
	[sflag:s29] =	ssyncadd.s32 $0xFFFFE000  }
0x1d4: {  	[hbm4b:s24+s2] =	stream.strided.scatter [tilespmem:s19], [sflag:$0xC], $0x2000, s14, s2, $0x38;
	[tilespmem:$0x18400] =	vst v63  }
0x1d5: {  	s25 =	rddreg [dreg:$0x12]  }
0x1d6: {  	[hbm4b:s25+s2] =	stream.strided.scatter [tilespmem:s21], [sflag:$0xC], $0x2000, s14, s2, $0x38;
	[tilespmem:$0x18400] =	vst v63  }
0x1d7: {  	_ =	swait.ge [sflag:s10], $0x2000  }
0x1d8: {  	[sflag:s10] =	ssyncset.done $0x0  }
0x1d9: {  	[sflag:s10] =	ssyncadd.s32 $0xFFFFE000  }
0x1da: {  	_ =	swait.ge [sflag:s10], $0x2000  }
0x1db: {  	[sflag:s10] =	ssyncset.done $0x0  }
0x1dc: {  	s26 =	rddreg [dreg:$0x13];
	[sflag:s10] =	ssyncadd.s32 $0xFFFFE000  }
0x1dd: {  	[hbm4b:s26+s2] =	stream.strided.scatter [tilespmem:s2], [sflag:$0x7], $0x2000, s14, s2, $0x38;
	[tilespmem:$0x18400] =	vst v63  }
0x1de: {  	s28 =	rddreg [dreg:$0x14]  }
0x1df: {  	[hbm4b:s28+s2] =	stream.strided.scatter [tilespmem:s11], [sflag:$0x7], $0x2000, s14, s2, $0x38;
	[tilespmem:$0x18400] =	vst v63  }
0x1e0: {  	_ =	swait.ge [sflag:s3], $0x2000  }
0x1e1: {  	[sflag:s3] =	ssyncset.done $0x0  }
0x1e2: {  	[sflag:s3] =	ssyncadd.s32 $0xFFFFE000  }
0x1e3: {  	_ =	swait.ge [sflag:s3], $0x2000  }
0x1e4: {  	[sflag:s3] =	ssyncset.done $0x0  }
0x1e5: {  	s29 =	rddreg [dreg:$0x15];
	[sflag:s3] =	ssyncadd.s32 $0xFFFFE000  }
0x1e6: {  	[hbm4b:s29+s2] =	stream.strided.scatter [tilespmem:s7], [sflag:$0x8], $0x2000, s14, s2, $0x38;
	[tilespmem:$0x18400] =	vst v63  }
0x1e7: {  	s30 =	rddreg [dreg:$0x16]  }
0x1e8: {  	[hbm4b:s30+s2] =	stream.strided.scatter [tilespmem:s8], [sflag:$0x8], $0x2000, s14, s2, $0x38;
	[tilespmem:$0x18400] =	vst v63  }
0x1e9: {  	_ =	swait.ge [sflag:s16], $0x2000  }
0x1ea: {  	[sflag:s16] =	ssyncset.done $0x0  }
0x1eb: {  	[sflag:s16] =	ssyncadd.s32 $0xFFFFE000  }
0x1ec: {  	_ =	swait.ge [sflag:s16], $0x2000  }
0x1ed: {  	[sflag:s16] =	ssyncset.done $0x0  }
0x1ee: {  	[sflag:s16] =	ssyncadd.s32 $0xFFFFE000  }
0x1ef: {  	_ =	swait.ge [sflag:s15], $0x2000  }
0x1f0: {  	[sflag:s15] =	ssyncset.done $0x0  }
0x1f1: {  	[sflag:s15] =	ssyncadd.s32 $0xFFFFE000  }
0x1f2: {  	_ =	swait.ge [sflag:s15], $0x2000  }
0x1f3: {  	[sflag:s15] =	ssyncset.done $0x0  }
0x1f4: {  	[sflag:s15] =	ssyncadd.s32 $0xFFFFE000  }
0x1f5: {  	_ =	swait.ge [sflag:s13], $0x2000  }
0x1f6: {  	[sflag:s13] =	ssyncset.done $0x0  }
0x1f7: {  	[sflag:s13] =	ssyncadd.s32 $0xFFFFE000  }
0x1f8: {  	_ =	swait.ge [sflag:s13], $0x2000  }
0x1f9: {  	[sflag:s13] =	ssyncset.done $0x0  }
0x1fa: {  	[sflag:s13] =	ssyncadd.s32 $0xFFFFE000  }
0x1fb: {  	_ =	swait.ge [sflag:s12], $0x2000  }
0x1fc: {  	[sflag:s12] =	ssyncset.done $0x0  }
0x1fd: {  	[sflag:s12] =	ssyncadd.s32 $0xFFFFE000  }
0x1fe: {  	_ =	swait.ge [sflag:s12], $0x2000  }
0x1ff: {  	[sflag:s12] =	ssyncset.done $0x0  }
0x200: {  	[sflag:s12] =	ssyncadd.s32 $0xFFFFE000  }
0x201: {  	_ =	swait.ge [sflag:s9], $0x2000  }
0x202: {  	[sflag:s9] =	ssyncset.done $0x0  }
0x203: {  	[sflag:s9] =	ssyncadd.s32 $0xFFFFE000  }
0x204: {  	_ =	swait.ge [sflag:s9], $0x2000  }
0x205: {  	[sflag:s9] =	ssyncset.done $0x0  }
0x206: {  	[sflag:s9] =	ssyncadd.s32 $0xFFFFE000  }
0x207: {  	_ =	swait.ge [sflag:s6], $0x2000  }
0x208: {  	[sflag:s6] =	ssyncset.done $0x0  }
0x209: {  	[sflag:s6] =	ssyncadd.s32 $0xFFFFE000  }
0x20a: {  	_ =	swait.ge [sflag:s6], $0x2000  }
0x20b: {  	[sflag:s6] =	ssyncset.done $0x0  }
0x20c: {  	[sflag:s6] =	ssyncadd.s32 $0xFFFFE000  }
0x20d: {  	_ =	sfence.sel $0x180000  }
0x20e: {  	[bflag:$0x0] =	sbarrier.arrive $0xFFFF  }
0x20f: {  	_ =	strace $0x90000047  }
0x210: {  	s31 =	stileid.u32;
	[bflag:$0x2] =	sbarrier.arrive $0xFFFF  }
0x211: {  	p0 =	sne.s32 s31, $0x0;
	s0 =	rddreg [dreg:$0x5]  }
0x212: {  	s0 =	sadd.s32 @!p0 $0x100000, s0  }
0x213: {  	[sflag:s0] =	ssyncadd.tile.s32 @!p0 $0x1;
	_ =	shalt  }
.LBB2_1:
.Ltmp3:
0x214: {  	(pc) =	sbr.rel .LBB2_6-.Ltmp3, $2  }
0x215: {  	_ =	sdelay $0x2  }
0x216: {  	s26 =	sld [smem:$0x7F9]  }
.LBB2_7:
.Ltmp4:
0x217: {  	(pc) =	sbr.rel .LBB2_6-.Ltmp4, $2  }
0x218: {  	_ =	sdelay $0x2  }
0x219: {  	s26 =	sld [smem:$0x7F9];
	s20 =	simm.s32 $0x200  }
.Lfunc_end2:
_tile_overlayer_lowered:
.L_overlay_start_2:
0x21a: {  	(tag) =	ssettag $0x2  }
0x21b: {  	s0 =	rddreg [dreg:$0x0];
	s2 =	stileid.u32  }
0x21c: {  	s1 =	rddreg [dreg:$0x1];
	p0 =	sne.s32 s2, $0x0  }
0x21d: {  	s3 =	rddreg [dreg:$0x2];
	[bflag:$0x3] =	sbarrier.arrive $0xFFFF;
	s2 =	simm.s32 @!p0 $0x1C0D  }
0x21e: {  	[timem:s3], [sflag:s2] =	dma.local @!p0 [hbm:s0], s1  }
0x21f: {  	s0 =	simm.s32 @!p0 $0xD  }
0x220: {  	_ =	swait.ge @!p0 [sflag:s0], s1  }
0x221: {  	s1 =	ssub.s32 @!p0 $0x0, s1;
	[sflag:s0] =	ssyncset.done @!p0 $0x0  }
0x222: {  	[sflag:s0] =	ssyncadd.s32 @!p0 s1  }
0x223: {  	[bflag:$0x3] =	sbarrier.arrive $0xFFFF  }
0x224: {  	_ =	shalt  }

</sc_bundles>
